<compile_context>
chip_gen: v7x
topology: tpu7x:2x2x1
jax: 0.10.2.dev20260603
libtpu: 0.0.44.dev20260713+nightly
codegen_flags: <defaults>
</compile_context>

<pallas_src>
import functools

import jax
import jax.numpy as jnp
from jax import lax
from jax.experimental import pallas as pl
from jax.experimental.pallas import tpu as pltpu
from jax.experimental.pallas import tpu_sc as plsc



def _argmax_body(kc, x_ref, e_ref, idx_ref, ebf_ref):
    tb = x_ref.shape[0]
    kk = e_ref.shape[0]
    nch = kk // kc

    @pl.when(pl.program_id(0) == 0)
    def _():
        ebf_ref[...] = e_ref[...].astype(jnp.bfloat16)

    xb = x_ref[...].astype(jnp.bfloat16)

    def pchunk(j):
        eb = ebf_ref[pl.ds(j * kc, kc), :]
        return lax.dot_general(
            xb, eb, (((1,), (1,)), ((), ())),
            preferred_element_type=jnp.float32
        ).astype(jnp.bfloat16)

    m_run = pchunk(0)
    c_run = jnp.zeros((tb, kc), jnp.bfloat16)
    for j in range(1, nch):
        p = pchunk(j)
        newer = p > m_run
        m_run = jnp.where(newer, p, m_run)
        c_run = jnp.where(newer, jnp.bfloat16(j), c_run)

    lm = jnp.max(m_run, axis=1, keepdims=True)
    eq = m_run == lm
    lanes = lax.broadcasted_iota(jnp.int32, (tb, kc), 1)
    full_idx = c_run.astype(jnp.int32) * kc + lanes
    idx = jnp.min(jnp.where(eq, full_idx, kk), axis=1, keepdims=True)
    idx_ref[...] = jnp.reshape(idx, (1, tb // 64, 64))


def _distance_argmax(x2d, emb, tb=256, kc=1024, interpret=False):
    n, d = x2d.shape
    return pl.pallas_call(
        functools.partial(_argmax_body, kc),
        grid=(n // tb,),
        in_specs=[
            pl.BlockSpec((tb, d), lambda t: (t, 0)),
            pl.BlockSpec(emb.shape, lambda t: (0, 0)),
        ],
        out_specs=pl.BlockSpec((1, tb // 64, 64), lambda t: (t, 0, 0)),
        out_shape=jax.ShapeDtypeStruct((n // tb, tb // 64, 64), jnp.int32),
        scratch_shapes=[pltpu.VMEM(emb.shape, jnp.bfloat16)],
        interpret=interpret,
    )(x2d, emb)



def _sc_gather_l1(emb, x2d, idx3d, interpret=False):
    kk, d = emb.shape
    nw, nch, ch = idx3d.shape
    bpw = nch * ch
    info = plsc.get_sparse_core_info()
    nc, ns, nl = info.num_cores, info.num_subcores, info.num_lanes
    mesh = plsc.VectorSubcoreMesh(core_axis_name="c", subcore_axis_name="s")

    @functools.partial(
        pl.kernel, mesh=mesh,
        out_type=jax.ShapeDtypeStruct((nw, nl), jnp.float32),
        scratch_types=[
            pltpu.VMEM((nch, ch), jnp.int32),
            pltpu.VMEM((2, ch, d), jnp.float32),
            pltpu.VMEM((2, ch, d), jnp.float32),
            pltpu.VMEM((nl,), jnp.float32),
            pltpu.SemaphoreType.DMA,
            pltpu.SemaphoreType.DMA,
        ],
    )
    def gather_kernel(table_hbm, x_hbm, idx_hbm, out_hbm,
                      idx_v, rows_v, x_v, acc_v, gsem, xsem):
        wid = lax.axis_index("s") * nc + lax.axis_index("c")
        pltpu.sync_copy(idx_hbm.at[wid], idx_v)

        def issue(j):
            buf = j % 2
            g = pltpu.async_copy(
                table_hbm.at[idx_v.at[j]], rows_v.at[buf], gsem)
            xc = pltpu.async_copy(
                x_hbm.at[pl.ds(wid * bpw + j * ch, ch)], x_v.at[buf], xsem)
            return g, xc

        inflight = issue(0)
        acc = jnp.zeros((nl,), jnp.float32)
        for j in range(nch):
            g, xc = inflight
            if j + 1 < nch:
                nxt = issue(j + 1)
            g.wait()
            xc.wait()
            buf = j % 2

            def row_body(r, a):
                for c in range(d // nl):
                    a = a + jnp.abs(x_v[buf, r, pl.ds(c * nl, nl)]
                                    - rows_v[buf, r, pl.ds(c * nl, nl)])
                return a

            acc = lax.fori_loop(0, ch, row_body, acc)
            if j + 1 < nch:
                inflight = nxt
        acc_v[...] = acc
        pltpu.sync_copy(acc_v, out_hbm.at[wid])

    return gather_kernel(emb, x2d, idx3d)



def kernel(x, embeddings):
    b, t, d = x.shape
    x2d = x.reshape(b * t, d)
    idx = _distance_argmax(x2d, embeddings)
    partials = _sc_gather_l1(embeddings, x2d, idx)
    return jnp.sum(partials) * (2.0 / x.size)

# --- scband reference (transcript-rebuilt; emitter-appended) ---
"""Pipeline reference for scband-vector-quantizer-24094766531103 (READ-ONLY COPY).

The authoritative reference and input builder live on the scoring server;
editing this copy changes nothing except your own understanding.
"""

import jax, jax.numpy as jnp
import numpy as np

def setup_inputs(seed: int = 0) -> dict:
    key = jax.random.key(seed)
    k1, k2 = jax.random.split(key)
    x = jax.random.normal(k1, (8, 1024, 256), dtype=jnp.float32)
    embeddings = jax.random.normal(k2, (8192, 256), dtype=jnp.float32)
    return {"x": x, "embeddings": embeddings}

def reference(x, embeddings):
    # quantize (no_grad in torch; argmax indices are non-differentiable anyway)
    prob = jnp.matmul(x, embeddings.T)            # [B, T, K]
    indexes = jnp.argmax(prob, axis=2)            # [B, T]
    # embed
    e = jnp.take(embeddings, indexes, axis=0)     # [B, T, dim]
    # calculate_loss
    reg_loss = jnp.mean(jnp.abs(x - jax.lax.stop_gradient(e)))
    embedding_loss = jnp.mean(jnp.abs(e - jax.lax.stop_gradient(x)))
    return embedding_loss + reg_loss

if __name__ == "__main__":
    import jax
    _d = setup_inputs()
    print(jax.jit(kernel)(*tuple(_d.values())))

</pallas_src>

<mosaic_0001>
#map = affine_map<(d0, d1) -> (0, 0)>
#map1 = affine_map<(d0, d1) -> (0, 0, 0)>
module attributes {stable_mosaic.version = 14 : i64} {
  func.func @gather_kernel(%arg0: i32, %arg1: i32, %arg2: memref<8192x256xf32, #tpu.memory_space<hbm>>, %arg3: memref<8192x256xf32, #tpu.memory_space<hbm>>, %arg4: memref<32x4x64xi32, #tpu.memory_space<hbm>>, %arg5: memref<32x16xf32, #tpu.memory_space<hbm>>, %arg6: memref<4x64xi32, #tpu.memory_space<vmem>>, %arg7: memref<2x64x256xf32, #tpu.memory_space<vmem>>, %arg8: memref<2x64x256xf32, #tpu.memory_space<vmem>>, %arg9: memref<16xf32, #tpu.memory_space<vmem>>, %arg10: memref<!tpu.dma_semaphore, #tpu.memory_space<semaphore_mem>>, %arg11: memref<!tpu.dma_semaphore, #tpu.memory_space<semaphore_mem>>) attributes {dimension_semantics = [#tpu.dimension_semantics<core_parallel>, #tpu.dimension_semantics<subcore_parallel>], iteration_bounds = array<i64: 2, 16>, scalar_prefetch = 0 : i64, scratch_operands = 6 : i64, tpu.core_type = #tpu.core_type<sc_vector_subcore>, window_params = [{transform_indices = #map}, {transform_indices = #map}, {transform_indices = #map1}, {transform_indices = #map}]} {
    %mul3A = arith.constant 2 : i32
    %mul3A_0 = arith.muli %arg1, %mul3A : i32
    %add3A = arith.addi %mul3A_0, %arg0 : i32
    "tpu.region"() ({
      %run_scoped3A = tpu.sem_alloc : memref<!tpu.dma_semaphore, #tpu.memory_space<semaphore_mem>>
      %dma_start3A_242 = arith.constant 0 : i32
      %dma_start3A_243 = arith.constant 0 : i32
      %dma_start3A_244 = tpu.memref_slice %arg4[%add3A, %dma_start3A_242, %dma_start3A_243] : memref<32x4x64xi32, #tpu.memory_space<hbm>> -> memref<1x4x64xi32, #tpu.memory_space<hbm>>
      %dma_start3A_245 = tpu.memref_squeeze %dma_start3A_244 : memref<1x4x64xi32, #tpu.memory_space<hbm>> -> memref<4x64xi32, #tpu.memory_space<hbm>>
      %dma_start3A_246 = arith.constant 0 : i32
      %dma_start3A_247 = arith.constant 0 : i32
      %dma_start3A_248 = tpu.memref_slice %arg4[%add3A, %dma_start3A_246, %dma_start3A_247] : memref<32x4x64xi32, #tpu.memory_space<hbm>> -> memref<1x4x64xi32, #tpu.memory_space<hbm>>
      %dma_start3A_249 = tpu.memref_squeeze %dma_start3A_248 : memref<1x4x64xi32, #tpu.memory_space<hbm>> -> memref<4x64xi32, #tpu.memory_space<hbm>>
      tpu.enqueue_dma source(%dma_start3A_249 : memref<4x64xi32, #tpu.memory_space<hbm>>) target(%arg6 : memref<4x64xi32, #tpu.memory_space<vmem>>) target_semaphore(%run_scoped3A : memref<!tpu.dma_semaphore, #tpu.memory_space<semaphore_mem>>)
      %dma_wait3A_250 = arith.constant 0 : i32
      %dma_wait3A_251 = arith.constant 0 : i32
      %dma_wait3A_252 = tpu.memref_slice %arg4[%add3A, %dma_wait3A_250, %dma_wait3A_251] : memref<32x4x64xi32, #tpu.memory_space<hbm>> -> memref<1x4x64xi32, #tpu.memory_space<hbm>>
      %dma_wait3A_253 = tpu.memref_squeeze %dma_wait3A_252 : memref<1x4x64xi32, #tpu.memory_space<hbm>> -> memref<4x64xi32, #tpu.memory_space<hbm>>
      %dma_wait3A_254 = arith.constant 0 : i32
      %dma_wait3A_255 = arith.constant 0 : i32
      %dma_wait3A_256 = tpu.memref_slice %arg4[%add3A, %dma_wait3A_254, %dma_wait3A_255] : memref<32x4x64xi32, #tpu.memory_space<hbm>> -> memref<1x4x64xi32, #tpu.memory_space<hbm>>
      %dma_wait3A_257 = tpu.memref_squeeze %dma_wait3A_256 : memref<1x4x64xi32, #tpu.memory_space<hbm>> -> memref<4x64xi32, #tpu.memory_space<hbm>>
      tpu.wait_dma2 semaphore(%run_scoped3A : memref<!tpu.dma_semaphore, #tpu.memory_space<semaphore_mem>>) src(%dma_wait3A_257 : memref<4x64xi32, #tpu.memory_space<hbm>>) dst(%arg6 : memref<4x64xi32, #tpu.memory_space<vmem>>)
      tpu.yield
    }) : () -> ()
    %dma_start3A = arith.constant 0 : i32
    %dma_start3A_1 = arith.constant 0 : i32
    %dma_start3A_2 = arith.constant 0 : i32
    %dma_start3A_3 = arith.constant 0 : i32
    %dma_start3A_4 = tpu.memref_slice %arg7[%dma_start3A_1, %dma_start3A_2, %dma_start3A_3] : memref<2x64x256xf32, #tpu.memory_space<vmem>> -> memref<1x64x256xf32, #tpu.memory_space<vmem>>
    %dma_start3A_5 = tpu.memref_squeeze %dma_start3A_4 : memref<1x64x256xf32, #tpu.memory_space<vmem>> -> memref<64x256xf32, #tpu.memory_space<vmem>>
    %dma_start3A_6 = arith.constant 0 : i32
    %dma_start3A_7 = tpu.memref_slice %arg6[%dma_start3A, %dma_start3A_6] : memref<4x64xi32, #tpu.memory_space<vmem>> -> memref<1x64xi32, #tpu.memory_space<vmem>>
    %dma_start3A_8 = tpu.memref_squeeze %dma_start3A_7 : memref<1x64xi32, #tpu.memory_space<vmem>> -> memref<64xi32, #tpu.memory_space<vmem>>
    %dma_start3A_9 = arith.constant 0 : i32
    %dma_start3A_10 = arith.constant 0 : i32
    %dma_start3A_11 = tpu.memref_slice %arg2[%dma_start3A_9, %dma_start3A_10] : memref<8192x256xf32, #tpu.memory_space<hbm>> -> memref<8192x256xf32, #tpu.memory_space<hbm>>
    tpu.enqueue_indirect_dma source(%dma_start3A_11 : memref<8192x256xf32, #tpu.memory_space<hbm>>) target(%dma_start3A_5 : memref<64x256xf32, #tpu.memory_space<vmem>>) offsets(%dma_start3A_8 : memref<64xi32, #tpu.memory_space<vmem>>) semaphore(%arg10 : memref<!tpu.dma_semaphore, #tpu.memory_space<semaphore_mem>>)
    %mul3A_12 = arith.constant 256 : i32
    %mul3A_13 = arith.muli %add3A, %mul3A_12 : i32
    %add3A_14 = arith.constant 0 : i32
    %add3A_15 = arith.addi %mul3A_13, %add3A_14 : i32
    %dma_start3A_16 = arith.constant 0 : i32
    %dma_start3A_17 = arith.constant 0 : i32
    %dma_start3A_18 = arith.constant 0 : i32
    %dma_start3A_19 = tpu.memref_slice %arg8[%dma_start3A_16, %dma_start3A_17, %dma_start3A_18] : memref<2x64x256xf32, #tpu.memory_space<vmem>> -> memref<1x64x256xf32, #tpu.memory_space<vmem>>
    %dma_start3A_20 = tpu.memref_squeeze %dma_start3A_19 : memref<1x64x256xf32, #tpu.memory_space<vmem>> -> memref<64x256xf32, #tpu.memory_space<vmem>>
    %dma_start3A_21 = arith.constant 0 : i32
    %dma_start3A_22 = tpu.memref_slice %arg3[%add3A_15, %dma_start3A_21] : memref<8192x256xf32, #tpu.memory_space<hbm>> -> memref<64x256xf32, #tpu.memory_space<hbm>>
    %dma_start3A_23 = arith.constant 0 : i32
    %dma_start3A_24 = arith.constant 0 : i32
    %dma_start3A_25 = tpu.memref_slice %arg8[%dma_start3A_16, %dma_start3A_23, %dma_start3A_24] : memref<2x64x256xf32, #tpu.memory_space<vmem>> -> memref<1x64x256xf32, #tpu.memory_space<vmem>>
    %dma_start3A_26 = tpu.memref_squeeze %dma_start3A_25 : memref<1x64x256xf32, #tpu.memory_space<vmem>> -> memref<64x256xf32, #tpu.memory_space<vmem>>
    %dma_start3A_27 = arith.constant 0 : i32
    %dma_start3A_28 = tpu.memref_slice %arg3[%add3A_15, %dma_start3A_27] : memref<8192x256xf32, #tpu.memory_space<hbm>> -> memref<64x256xf32, #tpu.memory_space<hbm>>
    tpu.enqueue_dma source(%dma_start3A_28 : memref<64x256xf32, #tpu.memory_space<hbm>>) target(%dma_start3A_26 : memref<64x256xf32, #tpu.memory_space<vmem>>) target_semaphore(%arg11 : memref<!tpu.dma_semaphore, #tpu.memory_space<semaphore_mem>>)
    %broadcast_in_dim3A = arith.constant 0.000000e+00 : f32
    %broadcast_in_dim3A_29 = vector.broadcast %broadcast_in_dim3A : f32 to vector<16xf32>
    %dma_start3A_30 = arith.constant 1 : i32
    %dma_start3A_31 = arith.constant 1 : i32
    %dma_start3A_32 = arith.constant 0 : i32
    %dma_start3A_33 = arith.constant 0 : i32
    %dma_start3A_34 = tpu.memref_slice %arg7[%dma_start3A_31, %dma_start3A_32, %dma_start3A_33] : memref<2x64x256xf32, #tpu.memory_space<vmem>> -> memref<1x64x256xf32, #tpu.memory_space<vmem>>
    %dma_start3A_35 = tpu.memref_squeeze %dma_start3A_34 : memref<1x64x256xf32, #tpu.memory_space<vmem>> -> memref<64x256xf32, #tpu.memory_space<vmem>>
    %dma_start3A_36 = arith.constant 0 : i32
    %dma_start3A_37 = tpu.memref_slice %arg6[%dma_start3A_30, %dma_start3A_36] : memref<4x64xi32, #tpu.memory_space<vmem>> -> memref<1x64xi32, #tpu.memory_space<vmem>>
    %dma_start3A_38 = tpu.memref_squeeze %dma_start3A_37 : memref<1x64xi32, #tpu.memory_space<vmem>> -> memref<64xi32, #tpu.memory_space<vmem>>
    %dma_start3A_39 = arith.constant 0 : i32
    %dma_start3A_40 = arith.constant 0 : i32
    %dma_start3A_41 = tpu.memref_slice %arg2[%dma_start3A_39, %dma_start3A_40] : memref<8192x256xf32, #tpu.memory_space<hbm>> -> memref<8192x256xf32, #tpu.memory_space<hbm>>
    tpu.enqueue_indirect_dma source(%dma_start3A_41 : memref<8192x256xf32, #tpu.memory_space<hbm>>) target(%dma_start3A_35 : memref<64x256xf32, #tpu.memory_space<vmem>>) offsets(%dma_start3A_38 : memref<64xi32, #tpu.memory_space<vmem>>) semaphore(%arg10 : memref<!tpu.dma_semaphore, #tpu.memory_space<semaphore_mem>>)
    %mul3A_42 = arith.constant 256 : i32
    %mul3A_43 = arith.muli %add3A, %mul3A_42 : i32
    %add3A_44 = arith.constant 64 : i32
    %add3A_45 = arith.addi %mul3A_43, %add3A_44 : i32
    %dma_start3A_46 = arith.constant 1 : i32
    %dma_start3A_47 = arith.constant 0 : i32
    %dma_start3A_48 = arith.constant 0 : i32
    %dma_start3A_49 = tpu.memref_slice %arg8[%dma_start3A_46, %dma_start3A_47, %dma_start3A_48] : memref<2x64x256xf32, #tpu.memory_space<vmem>> -> memref<1x64x256xf32, #tpu.memory_space<vmem>>
    %dma_start3A_50 = tpu.memref_squeeze %dma_start3A_49 : memref<1x64x256xf32, #tpu.memory_space<vmem>> -> memref<64x256xf32, #tpu.memory_space<vmem>>
    %dma_start3A_51 = arith.constant 0 : i32
    %dma_start3A_52 = tpu.memref_slice %arg3[%add3A_45, %dma_start3A_51] : memref<8192x256xf32, #tpu.memory_space<hbm>> -> memref<64x256xf32, #tpu.memory_space<hbm>>
    %dma_start3A_53 = arith.constant 0 : i32
    %dma_start3A_54 = arith.constant 0 : i32
    %dma_start3A_55 = tpu.memref_slice %arg8[%dma_start3A_46, %dma_start3A_53, %dma_start3A_54] : memref<2x64x256xf32, #tpu.memory_space<vmem>> -> memref<1x64x256xf32, #tpu.memory_space<vmem>>
    %dma_start3A_56 = tpu.memref_squeeze %dma_start3A_55 : memref<1x64x256xf32, #tpu.memory_space<vmem>> -> memref<64x256xf32, #tpu.memory_space<vmem>>
    %dma_start3A_57 = arith.constant 0 : i32
    %dma_start3A_58 = tpu.memref_slice %arg3[%add3A_45, %dma_start3A_57] : memref<8192x256xf32, #tpu.memory_space<hbm>> -> memref<64x256xf32, #tpu.memory_space<hbm>>
    tpu.enqueue_dma source(%dma_start3A_58 : memref<64x256xf32, #tpu.memory_space<hbm>>) target(%dma_start3A_56 : memref<64x256xf32, #tpu.memory_space<vmem>>) target_semaphore(%arg11 : memref<!tpu.dma_semaphore, #tpu.memory_space<semaphore_mem>>)
    %dma_wait3A = arith.constant 0 : i32
    %dma_wait3A_59 = arith.constant 0 : i32
    %dma_wait3A_60 = arith.constant 0 : i32
    %dma_wait3A_61 = arith.constant 0 : i32
    %dma_wait3A_62 = tpu.memref_slice %arg7[%dma_wait3A_59, %dma_wait3A_60, %dma_wait3A_61] : memref<2x64x256xf32, #tpu.memory_space<vmem>> -> memref<1x64x256xf32, #tpu.memory_space<vmem>>
    %dma_wait3A_63 = tpu.memref_squeeze %dma_wait3A_62 : memref<1x64x256xf32, #tpu.memory_space<vmem>> -> memref<64x256xf32, #tpu.memory_space<vmem>>
    %dma_wait3A_64 = arith.constant 0 : i32
    %dma_wait3A_65 = tpu.memref_slice %arg6[%dma_wait3A, %dma_wait3A_64] : memref<4x64xi32, #tpu.memory_space<vmem>> -> memref<1x64xi32, #tpu.memory_space<vmem>>
    %dma_wait3A_66 = tpu.memref_squeeze %dma_wait3A_65 : memref<1x64xi32, #tpu.memory_space<vmem>> -> memref<64xi32, #tpu.memory_space<vmem>>
    %dma_wait3A_67 = arith.constant 0 : i32
    %dma_wait3A_68 = arith.constant 0 : i32
    %dma_wait3A_69 = tpu.memref_slice %arg2[%dma_wait3A_67, %dma_wait3A_68] : memref<8192x256xf32, #tpu.memory_space<hbm>> -> memref<8192x256xf32, #tpu.memory_space<hbm>>
    tpu.wait_indirect_dma semaphore(%arg10 : memref<!tpu.dma_semaphore, #tpu.memory_space<semaphore_mem>>) src(%dma_wait3A_69 : memref<8192x256xf32, #tpu.memory_space<hbm>>) dst(%dma_wait3A_63 : memref<64x256xf32, #tpu.memory_space<vmem>>)
    %dma_wait3A_70 = arith.constant 0 : i32
    %dma_wait3A_71 = arith.constant 0 : i32
    %dma_wait3A_72 = arith.constant 0 : i32
    %dma_wait3A_73 = tpu.memref_slice %arg8[%dma_wait3A_70, %dma_wait3A_71, %dma_wait3A_72] : memref<2x64x256xf32, #tpu.memory_space<vmem>> -> memref<1x64x256xf32, #tpu.memory_space<vmem>>
    %dma_wait3A_74 = tpu.memref_squeeze %dma_wait3A_73 : memref<1x64x256xf32, #tpu.memory_space<vmem>> -> memref<64x256xf32, #tpu.memory_space<vmem>>
    %dma_wait3A_75 = arith.constant 0 : i32
    %dma_wait3A_76 = tpu.memref_slice %arg3[%add3A_15, %dma_wait3A_75] : memref<8192x256xf32, #tpu.memory_space<hbm>> -> memref<64x256xf32, #tpu.memory_space<hbm>>
    %dma_wait3A_77 = arith.constant 0 : i32
    %dma_wait3A_78 = arith.constant 0 : i32
    %dma_wait3A_79 = tpu.memref_slice %arg8[%dma_wait3A_70, %dma_wait3A_77, %dma_wait3A_78] : memref<2x64x256xf32, #tpu.memory_space<vmem>> -> memref<1x64x256xf32, #tpu.memory_space<vmem>>
    %dma_wait3A_80 = tpu.memref_squeeze %dma_wait3A_79 : memref<1x64x256xf32, #tpu.memory_space<vmem>> -> memref<64x256xf32, #tpu.memory_space<vmem>>
    %dma_wait3A_81 = arith.constant 0 : i32
    %dma_wait3A_82 = tpu.memref_slice %arg3[%add3A_15, %dma_wait3A_81] : memref<8192x256xf32, #tpu.memory_space<hbm>> -> memref<64x256xf32, #tpu.memory_space<hbm>>
    tpu.wait_dma2 semaphore(%arg11 : memref<!tpu.dma_semaphore, #tpu.memory_space<semaphore_mem>>) src(%dma_wait3A_82 : memref<64x256xf32, #tpu.memory_space<hbm>>) dst(%dma_wait3A_80 : memref<64x256xf32, #tpu.memory_space<vmem>>)
    %scan3A = arith.constant 0 : i32
    %scan3A_83 = arith.constant 64 : i32
    %scan3A_84 = arith.addi %scan3A, %scan3A_83 : i32
    %scan3A_85 = arith.constant 1 : i32
    %scan3A_86 = scf.for %scan3A_242 = %scan3A to %scan3A_84 step %scan3A_85 iter_args(%scan3A_243 = %broadcast_in_dim3A_29) -> (vector<16xf32>)  : i32 {
      %get3A = arith.constant 0 : i32
      %get3A_244 = arith.index_cast %get3A : i32 to index
      %get3A_245 = arith.index_cast %scan3A_242 : i32 to index
      %get3A_246 = arith.constant 0 : index
      %get3A_247 = tpu.vector_load %arg8[%get3A_244, %get3A_245, %get3A_246] {strides = array<i32>} : memref<2x64x256xf32, #tpu.memory_space<vmem>>, vector<1x1x16xf32>,
      %get3A_248 = vector.shape_cast %get3A_247 : vector<1x1x16xf32> to vector<16xf32>
      %get3A_249 = arith.constant 0 : i32
      %get3A_250 = arith.index_cast %get3A_249 : i32 to index
      %get3A_251 = arith.index_cast %scan3A_242 : i32 to index
      %get3A_252 = arith.constant 0 : index
      %get3A_253 = tpu.vector_load %arg7[%get3A_250, %get3A_251, %get3A_252] {strides = array<i32>} : memref<2x64x256xf32, #tpu.memory_space<vmem>>, vector<1x1x16xf32>,
      %get3A_254 = vector.shape_cast %get3A_253 : vector<1x1x16xf32> to vector<16xf32>
      %sub3A = arith.subf %get3A_248, %get3A_254 : vector<16xf32>
      %abs3A = math.absf %sub3A : vector<16xf32>
      %add3A_255 = arith.addf %scan3A_243, %abs3A : vector<16xf32>
      %get3A_256 = arith.constant 0 : i32
      %get3A_257 = arith.index_cast %get3A_256 : i32 to index
      %get3A_258 = arith.index_cast %scan3A_242 : i32 to index
      %get3A_259 = arith.constant 16 : index
      %get3A_260 = tpu.vector_load %arg8[%get3A_257, %get3A_258, %get3A_259] {strides = array<i32>} : memref<2x64x256xf32, #tpu.memory_space<vmem>>, vector<1x1x16xf32>,
      %get3A_261 = vector.shape_cast %get3A_260 : vector<1x1x16xf32> to vector<16xf32>
      %get3A_262 = arith.constant 0 : i32
      %get3A_263 = arith.index_cast %get3A_262 : i32 to index
      %get3A_264 = arith.index_cast %scan3A_242 : i32 to index
      %get3A_265 = arith.constant 16 : index
      %get3A_266 = tpu.vector_load %arg7[%get3A_263, %get3A_264, %get3A_265] {strides = array<i32>} : memref<2x64x256xf32, #tpu.memory_space<vmem>>, vector<1x1x16xf32>,
      %get3A_267 = vector.shape_cast %get3A_266 : vector<1x1x16xf32> to vector<16xf32>
      %sub3A_268 = arith.subf %get3A_261, %get3A_267 : vector<16xf32>
      %abs3A_269 = math.absf %sub3A_268 : vector<16xf32>
      %add3A_270 = arith.addf %add3A_255, %abs3A_269 : vector<16xf32>
      %get3A_271 = arith.constant 0 : i32
      %get3A_272 = arith.index_cast %get3A_271 : i32 to index
      %get3A_273 = arith.index_cast %scan3A_242 : i32 to index
      %get3A_274 = arith.constant 32 : index
      %get3A_275 = tpu.vector_load %arg8[%get3A_272, %get3A_273, %get3A_274] {strides = array<i32>} : memref<2x64x256xf32, #tpu.memory_space<vmem>>, vector<1x1x16xf32>,
      %get3A_276 = vector.shape_cast %get3A_275 : vector<1x1x16xf32> to vector<16xf32>
      %get3A_277 = arith.constant 0 : i32
      %get3A_278 = arith.index_cast %get3A_277 : i32 to index
      %get3A_279 = arith.index_cast %scan3A_242 : i32 to index
      %get3A_280 = arith.constant 32 : index
      %get3A_281 = tpu.vector_load %arg7[%get3A_278, %get3A_279, %get3A_280] {strides = array<i32>} : memref<2x64x256xf32, #tpu.memory_space<vmem>>, vector<1x1x16xf32>,
      %get3A_282 = vector.shape_cast %get3A_281 : vector<1x1x16xf32> to vector<16xf32>
      %sub3A_283 = arith.subf %get3A_276, %get3A_282 : vector<16xf32>
      %abs3A_284 = math.absf %sub3A_283 : vector<16xf32>
      %add3A_285 = arith.addf %add3A_270, %abs3A_284 : vector<16xf32>
      %get3A_286 = arith.constant 0 : i32
      %get3A_287 = arith.index_cast %get3A_286 : i32 to index
      %get3A_288 = arith.index_cast %scan3A_242 : i32 to index
      %get3A_289 = arith.constant 48 : index
      %get3A_290 = tpu.vector_load %arg8[%get3A_287, %get3A_288, %get3A_289] {strides = array<i32>} : memref<2x64x256xf32, #tpu.memory_space<vmem>>, vector<1x1x16xf32>,
      %get3A_291 = vector.shape_cast %get3A_290 : vector<1x1x16xf32> to vector<16xf32>
      %get3A_292 = arith.constant 0 : i32
      %get3A_293 = arith.index_cast %get3A_292 : i32 to index
      %get3A_294 = arith.index_cast %scan3A_242 : i32 to index
      %get3A_295 = arith.constant 48 : index
      %get3A_296 = tpu.vector_load %arg7[%get3A_293, %get3A_294, %get3A_295] {strides = array<i32>} : memref<2x64x256xf32, #tpu.memory_space<vmem>>, vector<1x1x16xf32>,
      %get3A_297 = vector.shape_cast %get3A_296 : vector<1x1x16xf32> to vector<16xf32>
      %sub3A_298 = arith.subf %get3A_291, %get3A_297 : vector<16xf32>
      %abs3A_299 = math.absf %sub3A_298 : vector<16xf32>
      %add3A_300 = arith.addf %add3A_285, %abs3A_299 : vector<16xf32>
      %get3A_301 = arith.constant 0 : i32
      %get3A_302 = arith.index_cast %get3A_301 : i32 to index
      %get3A_303 = arith.index_cast %scan3A_242 : i32 to index
      %get3A_304 = arith.constant 64 : index
      %get3A_305 = tpu.vector_load %arg8[%get3A_302, %get3A_303, %get3A_304] {strides = array<i32>} : memref<2x64x256xf32, #tpu.memory_space<vmem>>, vector<1x1x16xf32>,
      %get3A_306 = vector.shape_cast %get3A_305 : vector<1x1x16xf32> to vector<16xf32>
      %get3A_307 = arith.constant 0 : i32
      %get3A_308 = arith.index_cast %get3A_307 : i32 to index
      %get3A_309 = arith.index_cast %scan3A_242 : i32 to index
      %get3A_310 = arith.constant 64 : index
      %get3A_311 = tpu.vector_load %arg7[%get3A_308, %get3A_309, %get3A_310] {strides = array<i32>} : memref<2x64x256xf32, #tpu.memory_space<vmem>>, vector<1x1x16xf32>,
      %get3A_312 = vector.shape_cast %get3A_311 : vector<1x1x16xf32> to vector<16xf32>
      %sub3A_313 = arith.subf %get3A_306, %get3A_312 : vector<16xf32>
      %abs3A_314 = math.absf %sub3A_313 : vector<16xf32>
      %add3A_315 = arith.addf %add3A_300, %abs3A_314 : vector<16xf32>
      %get3A_316 = arith.constant 0 : i32
      %get3A_317 = arith.index_cast %get3A_316 : i32 to index
      %get3A_318 = arith.index_cast %scan3A_242 : i32 to index
      %get3A_319 = arith.constant 80 : index
      %get3A_320 = tpu.vector_load %arg8[%get3A_317, %get3A_318, %get3A_319] {strides = array<i32>} : memref<2x64x256xf32, #tpu.memory_space<vmem>>, vector<1x1x16xf32>,
      %get3A_321 = vector.shape_cast %get3A_320 : vector<1x1x16xf32> to vector<16xf32>
      %get3A_322 = arith.constant 0 : i32
      %get3A_323 = arith.index_cast %get3A_322 : i32 to index
      %get3A_324 = arith.index_cast %scan3A_242 : i32 to index
      %get3A_325 = arith.constant 80 : index
      %get3A_326 = tpu.vector_load %arg7[%get3A_323, %get3A_324, %get3A_325] {strides = array<i32>} : memref<2x64x256xf32, #tpu.memory_space<vmem>>, vector<1x1x16xf32>,
      %get3A_327 = vector.shape_cast %get3A_326 : vector<1x1x16xf32> to vector<16xf32>
      %sub3A_328 = arith.subf %get3A_321, %get3A_327 : vector<16xf32>
      %abs3A_329 = math.absf %sub3A_328 : vector<16xf32>
      %add3A_330 = arith.addf %add3A_315, %abs3A_329 : vector<16xf32>
      %get3A_331 = arith.constant 0 : i32
      %get3A_332 = arith.index_cast %get3A_331 : i32 to index
      %get3A_333 = arith.index_cast %scan3A_242 : i32 to index
      %get3A_334 = arith.constant 96 : index
      %get3A_335 = tpu.vector_load %arg8[%get3A_332, %get3A_333, %get3A_334] {strides = array<i32>} : memref<2x64x256xf32, #tpu.memory_space<vmem>>, vector<1x1x16xf32>,
      %get3A_336 = vector.shape_cast %get3A_335 : vector<1x1x16xf32> to vector<16xf32>
      %get3A_337 = arith.constant 0 : i32
      %get3A_338 = arith.index_cast %get3A_337 : i32 to index
      %get3A_339 = arith.index_cast %scan3A_242 : i32 to index
      %get3A_340 = arith.constant 96 : index
      %get3A_341 = tpu.vector_load %arg7[%get3A_338, %get3A_339, %get3A_340] {strides = array<i32>} : memref<2x64x256xf32, #tpu.memory_space<vmem>>, vector<1x1x16xf32>,
      %get3A_342 = vector.shape_cast %get3A_341 : vector<1x1x16xf32> to vector<16xf32>
      %sub3A_343 = arith.subf %get3A_336, %get3A_342 : vector<16xf32>
      %abs3A_344 = math.absf %sub3A_343 : vector<16xf32>
      %add3A_345 = arith.addf %add3A_330, %abs3A_344 : vector<16xf32>
      %get3A_346 = arith.constant 0 : i32
      %get3A_347 = arith.index_cast %get3A_346 : i32 to index
      %get3A_348 = arith.index_cast %scan3A_242 : i32 to index
      %get3A_349 = arith.constant 112 : index
      %get3A_350 = tpu.vector_load %arg8[%get3A_347, %get3A_348, %get3A_349] {strides = array<i32>} : memref<2x64x256xf32, #tpu.memory_space<vmem>>, vector<1x1x16xf32>,
      %get3A_351 = vector.shape_cast %get3A_350 : vector<1x1x16xf32> to vector<16xf32>
      %get3A_352 = arith.constant 0 : i32
      %get3A_353 = arith.index_cast %get3A_352 : i32 to index
      %get3A_354 = arith.index_cast %scan3A_242 : i32 to index
      %get3A_355 = arith.constant 112 : index
      %get3A_356 = tpu.vector_load %arg7[%get3A_353, %get3A_354, %get3A_355] {strides = array<i32>} : memref<2x64x256xf32, #tpu.memory_space<vmem>>, vector<1x1x16xf32>,
      %get3A_357 = vector.shape_cast %get3A_356 : vector<1x1x16xf32> to vector<16xf32>
      %sub3A_358 = arith.subf %get3A_351, %get3A_357 : vector<16xf32>
      %abs3A_359 = math.absf %sub3A_358 : vector<16xf32>
      %add3A_360 = arith.addf %add3A_345, %abs3A_359 : vector<16xf32>
      %get3A_361 = arith.constant 0 : i32
      %get3A_362 = arith.index_cast %get3A_361 : i32 to index
      %get3A_363 = arith.index_cast %scan3A_242 : i32 to index
      %get3A_364 = arith.constant 128 : index
      %get3A_365 = tpu.vector_load %arg8[%get3A_362, %get3A_363, %get3A_364] {strides = array<i32>} : memref<2x64x256xf32, #tpu.memory_space<vmem>>, vector<1x1x16xf32>,
      %get3A_366 = vector.shape_cast %get3A_365 : vector<1x1x16xf32> to vector<16xf32>
      %get3A_367 = arith.constant 0 : i32
      %get3A_368 = arith.index_cast %get3A_367 : i32 to index
      %get3A_369 = arith.index_cast %scan3A_242 : i32 to index
      %get3A_370 = arith.constant 128 : index
      %get3A_371 = tpu.vector_load %arg7[%get3A_368, %get3A_369, %get3A_370] {strides = array<i32>} : memref<2x64x256xf32, #tpu.memory_space<vmem>>, vector<1x1x16xf32>,
      %get3A_372 = vector.shape_cast %get3A_371 : vector<1x1x16xf32> to vector<16xf32>
      %sub3A_373 = arith.subf %get3A_366, %get3A_372 : vector<16xf32>
      %abs3A_374 = math.absf %sub3A_373 : vector<16xf32>
      %add3A_375 = arith.addf %add3A_360, %abs3A_374 : vector<16xf32>
      %get3A_376 = arith.constant 0 : i32
      %get3A_377 = arith.index_cast %get3A_376 : i32 to index
      %get3A_378 = arith.index_cast %scan3A_242 : i32 to index
      %get3A_379 = arith.constant 144 : index
      %get3A_380 = tpu.vector_load %arg8[%get3A_377, %get3A_378, %get3A_379] {strides = array<i32>} : memref<2x64x256xf32, #tpu.memory_space<vmem>>, vector<1x1x16xf32>,
      %get3A_381 = vector.shape_cast %get3A_380 : vector<1x1x16xf32> to vector<16xf32>
      %get3A_382 = arith.constant 0 : i32
      %get3A_383 = arith.index_cast %get3A_382 : i32 to index
      %get3A_384 = arith.index_cast %scan3A_242 : i32 to index
      %get3A_385 = arith.constant 144 : index
      %get3A_386 = tpu.vector_load %arg7[%get3A_383, %get3A_384, %get3A_385] {strides = array<i32>} : memref<2x64x256xf32, #tpu.memory_space<vmem>>, vector<1x1x16xf32>,
      %get3A_387 = vector.shape_cast %get3A_386 : vector<1x1x16xf32> to vector<16xf32>
      %sub3A_388 = arith.subf %get3A_381, %get3A_387 : vector<16xf32>
      %abs3A_389 = math.absf %sub3A_388 : vector<16xf32>
      %add3A_390 = arith.addf %add3A_375, %abs3A_389 : vector<16xf32>
      %get3A_391 = arith.constant 0 : i32
      %get3A_392 = arith.index_cast %get3A_391 : i32 to index
      %get3A_393 = arith.index_cast %scan3A_242 : i32 to index
      %get3A_394 = arith.constant 160 : index
      %get3A_395 = tpu.vector_load %arg8[%get3A_392, %get3A_393, %get3A_394] {strides = array<i32>} : memref<2x64x256xf32, #tpu.memory_space<vmem>>, vector<1x1x16xf32>,
      %get3A_396 = vector.shape_cast %get3A_395 : vector<1x1x16xf32> to vector<16xf32>
      %get3A_397 = arith.constant 0 : i32
      %get3A_398 = arith.index_cast %get3A_397 : i32 to index
      %get3A_399 = arith.index_cast %scan3A_242 : i32 to index
      %get3A_400 = arith.constant 160 : index
      %get3A_401 = tpu.vector_load %arg7[%get3A_398, %get3A_399, %get3A_400] {strides = array<i32>} : memref<2x64x256xf32, #tpu.memory_space<vmem>>, vector<1x1x16xf32>,
      %get3A_402 = vector.shape_cast %get3A_401 : vector<1x1x16xf32> to vector<16xf32>
      %sub3A_403 = arith.subf %get3A_396, %get3A_402 : vector<16xf32>
      %abs3A_404 = math.absf %sub3A_403 : vector<16xf32>
      %add3A_405 = arith.addf %add3A_390, %abs3A_404 : vector<16xf32>
      %get3A_406 = arith.constant 0 : i32
      %get3A_407 = arith.index_cast %get3A_406 : i32 to index
      %get3A_408 = arith.index_cast %scan3A_242 : i32 to index
      %get3A_409 = arith.constant 176 : index
      %get3A_410 = tpu.vector_load %arg8[%get3A_407, %get3A_408, %get3A_409] {strides = array<i32>} : memref<2x64x256xf32, #tpu.memory_space<vmem>>, vector<1x1x16xf32>,
      %get3A_411 = vector.shape_cast %get3A_410 : vector<1x1x16xf32> to vector<16xf32>
      %get3A_412 = arith.constant 0 : i32
      %get3A_413 = arith.index_cast %get3A_412 : i32 to index
      %get3A_414 = arith.index_cast %scan3A_242 : i32 to index
      %get3A_415 = arith.constant 176 : index
      %get3A_416 = tpu.vector_load %arg7[%get3A_413, %get3A_414, %get3A_415] {strides = array<i32>} : memref<2x64x256xf32, #tpu.memory_space<vmem>>, vector<1x1x16xf32>,
      %get3A_417 = vector.shape_cast %get3A_416 : vector<1x1x16xf32> to vector<16xf32>
      %sub3A_418 = arith.subf %get3A_411, %get3A_417 : vector<16xf32>
      %abs3A_419 = math.absf %sub3A_418 : vector<16xf32>
      %add3A_420 = arith.addf %add3A_405, %abs3A_419 : vector<16xf32>
      %get3A_421 = arith.constant 0 : i32
      %get3A_422 = arith.index_cast %get3A_421 : i32 to index
      %get3A_423 = arith.index_cast %scan3A_242 : i32 to index
      %get3A_424 = arith.constant 192 : index
      %get3A_425 = tpu.vector_load %arg8[%get3A_422, %get3A_423, %get3A_424] {strides = array<i32>} : memref<2x64x256xf32, #tpu.memory_space<vmem>>, vector<1x1x16xf32>,
      %get3A_426 = vector.shape_cast %get3A_425 : vector<1x1x16xf32> to vector<16xf32>
      %get3A_427 = arith.constant 0 : i32
      %get3A_428 = arith.index_cast %get3A_427 : i32 to index
      %get3A_429 = arith.index_cast %scan3A_242 : i32 to index
      %get3A_430 = arith.constant 192 : index
      %get3A_431 = tpu.vector_load %arg7[%get3A_428, %get3A_429, %get3A_430] {strides = array<i32>} : memref<2x64x256xf32, #tpu.memory_space<vmem>>, vector<1x1x16xf32>,
      %get3A_432 = vector.shape_cast %get3A_431 : vector<1x1x16xf32> to vector<16xf32>
      %sub3A_433 = arith.subf %get3A_426, %get3A_432 : vector<16xf32>
      %abs3A_434 = math.absf %sub3A_433 : vector<16xf32>
      %add3A_435 = arith.addf %add3A_420, %abs3A_434 : vector<16xf32>
      %get3A_436 = arith.constant 0 : i32
      %get3A_437 = arith.index_cast %get3A_436 : i32 to index
      %get3A_438 = arith.index_cast %scan3A_242 : i32 to index
      %get3A_439 = arith.constant 208 : index
      %get3A_440 = tpu.vector_load %arg8[%get3A_437, %get3A_438, %get3A_439] {strides = array<i32>} : memref<2x64x256xf32, #tpu.memory_space<vmem>>, vector<1x1x16xf32>,
      %get3A_441 = vector.shape_cast %get3A_440 : vector<1x1x16xf32> to vector<16xf32>
      %get3A_442 = arith.constant 0 : i32
      %get3A_443 = arith.index_cast %get3A_442 : i32 to index
      %get3A_444 = arith.index_cast %scan3A_242 : i32 to index
      %get3A_445 = arith.constant 208 : index
      %get3A_446 = tpu.vector_load %arg7[%get3A_443, %get3A_444, %get3A_445] {strides = array<i32>} : memref<2x64x256xf32, #tpu.memory_space<vmem>>, vector<1x1x16xf32>,
      %get3A_447 = vector.shape_cast %get3A_446 : vector<1x1x16xf32> to vector<16xf32>
      %sub3A_448 = arith.subf %get3A_441, %get3A_447 : vector<16xf32>
      %abs3A_449 = math.absf %sub3A_448 : vector<16xf32>
      %add3A_450 = arith.addf %add3A_435, %abs3A_449 : vector<16xf32>
      %get3A_451 = arith.constant 0 : i32
      %get3A_452 = arith.index_cast %get3A_451 : i32 to index
      %get3A_453 = arith.index_cast %scan3A_242 : i32 to index
      %get3A_454 = arith.constant 224 : index
      %get3A_455 = tpu.vector_load %arg8[%get3A_452, %get3A_453, %get3A_454] {strides = array<i32>} : memref<2x64x256xf32, #tpu.memory_space<vmem>>, vector<1x1x16xf32>,
      %get3A_456 = vector.shape_cast %get3A_455 : vector<1x1x16xf32> to vector<16xf32>
      %get3A_457 = arith.constant 0 : i32
      %get3A_458 = arith.index_cast %get3A_457 : i32 to index
      %get3A_459 = arith.index_cast %scan3A_242 : i32 to index
      %get3A_460 = arith.constant 224 : index
      %get3A_461 = tpu.vector_load %arg7[%get3A_458, %get3A_459, %get3A_460] {strides = array<i32>} : memref<2x64x256xf32, #tpu.memory_space<vmem>>, vector<1x1x16xf32>,
      %get3A_462 = vector.shape_cast %get3A_461 : vector<1x1x16xf32> to vector<16xf32>
      %sub3A_463 = arith.subf %get3A_456, %get3A_462 : vector<16xf32>
      %abs3A_464 = math.absf %sub3A_463 : vector<16xf32>
      %add3A_465 = arith.addf %add3A_450, %abs3A_464 : vector<16xf32>
      %get3A_466 = arith.constant 0 : i32
      %get3A_467 = arith.index_cast %get3A_466 : i32 to index
      %get3A_468 = arith.index_cast %scan3A_242 : i32 to index
      %get3A_469 = arith.constant 240 : index
      %get3A_470 = tpu.vector_load %arg8[%get3A_467, %get3A_468, %get3A_469] {strides = array<i32>} : memref<2x64x256xf32, #tpu.memory_space<vmem>>, vector<1x1x16xf32>,
      %get3A_471 = vector.shape_cast %get3A_470 : vector<1x1x16xf32> to vector<16xf32>
      %get3A_472 = arith.constant 0 : i32
      %get3A_473 = arith.index_cast %get3A_472 : i32 to index
      %get3A_474 = arith.index_cast %scan3A_242 : i32 to index
      %get3A_475 = arith.constant 240 : index
      %get3A_476 = tpu.vector_load %arg7[%get3A_473, %get3A_474, %get3A_475] {strides = array<i32>} : memref<2x64x256xf32, #tpu.memory_space<vmem>>, vector<1x1x16xf32>,
      %get3A_477 = vector.shape_cast %get3A_476 : vector<1x1x16xf32> to vector<16xf32>
      %sub3A_478 = arith.subf %get3A_471, %get3A_477 : vector<16xf32>
      %abs3A_479 = math.absf %sub3A_478 : vector<16xf32>
      %add3A_480 = arith.addf %add3A_465, %abs3A_479 : vector<16xf32>
      scf.yield %add3A_480 : vector<16xf32>
    }
    %scan3A_87 = arith.constant 64 : i32
    %dma_start3A_88 = arith.constant 2 : i32
    %dma_start3A_89 = arith.constant 0 : i32
    %dma_start3A_90 = arith.constant 0 : i32
    %dma_start3A_91 = arith.constant 0 : i32
    %dma_start3A_92 = tpu.memref_slice %arg7[%dma_start3A_89, %dma_start3A_90, %dma_start3A_91] : memref<2x64x256xf32, #tpu.memory_space<vmem>> -> memref<1x64x256xf32, #tpu.memory_space<vmem>>
    %dma_start3A_93 = tpu.memref_squeeze %dma_start3A_92 : memref<1x64x256xf32, #tpu.memory_space<vmem>> -> memref<64x256xf32, #tpu.memory_space<vmem>>
    %dma_start3A_94 = arith.constant 0 : i32
    %dma_start3A_95 = tpu.memref_slice %arg6[%dma_start3A_88, %dma_start3A_94] : memref<4x64xi32, #tpu.memory_space<vmem>> -> memref<1x64xi32, #tpu.memory_space<vmem>>
    %dma_start3A_96 = tpu.memref_squeeze %dma_start3A_95 : memref<1x64xi32, #tpu.memory_space<vmem>> -> memref<64xi32, #tpu.memory_space<vmem>>
    %dma_start3A_97 = arith.constant 0 : i32
    %dma_start3A_98 = arith.constant 0 : i32
    %dma_start3A_99 = tpu.memref_slice %arg2[%dma_start3A_97, %dma_start3A_98] : memref<8192x256xf32, #tpu.memory_space<hbm>> -> memref<8192x256xf32, #tpu.memory_space<hbm>>
    tpu.enqueue_indirect_dma source(%dma_start3A_99 : memref<8192x256xf32, #tpu.memory_space<hbm>>) target(%dma_start3A_93 : memref<64x256xf32, #tpu.memory_space<vmem>>) offsets(%dma_start3A_96 : memref<64xi32, #tpu.memory_space<vmem>>) semaphore(%arg10 : memref<!tpu.dma_semaphore, #tpu.memory_space<semaphore_mem>>)
    %mul3A_100 = arith.constant 256 : i32
    %mul3A_101 = arith.muli %add3A, %mul3A_100 : i32
    %add3A_102 = arith.constant 128 : i32
    %add3A_103 = arith.addi %mul3A_101, %add3A_102 : i32
    %dma_start3A_104 = arith.constant 0 : i32
    %dma_start3A_105 = arith.constant 0 : i32
    %dma_start3A_106 = arith.constant 0 : i32
    %dma_start3A_107 = tpu.memref_slice %arg8[%dma_start3A_104, %dma_start3A_105, %dma_start3A_106] : memref<2x64x256xf32, #tpu.memory_space<vmem>> -> memref<1x64x256xf32, #tpu.memory_space<vmem>>
    %dma_start3A_108 = tpu.memref_squeeze %dma_start3A_107 : memref<1x64x256xf32, #tpu.memory_space<vmem>> -> memref<64x256xf32, #tpu.memory_space<vmem>>
    %dma_start3A_109 = arith.constant 0 : i32
    %dma_start3A_110 = tpu.memref_slice %arg3[%add3A_103, %dma_start3A_109] : memref<8192x256xf32, #tpu.memory_space<hbm>> -> memref<64x256xf32, #tpu.memory_space<hbm>>
    %dma_start3A_111 = arith.constant 0 : i32
    %dma_start3A_112 = arith.constant 0 : i32
    %dma_start3A_113 = tpu.memref_slice %arg8[%dma_start3A_104, %dma_start3A_111, %dma_start3A_112] : memref<2x64x256xf32, #tpu.memory_space<vmem>> -> memref<1x64x256xf32, #tpu.memory_space<vmem>>
    %dma_start3A_114 = tpu.memref_squeeze %dma_start3A_113 : memref<1x64x256xf32, #tpu.memory_space<vmem>> -> memref<64x256xf32, #tpu.memory_space<vmem>>
    %dma_start3A_115 = arith.constant 0 : i32
    %dma_start3A_116 = tpu.memref_slice %arg3[%add3A_103, %dma_start3A_115] : memref<8192x256xf32, #tpu.memory_space<hbm>> -> memref<64x256xf32, #tpu.memory_space<hbm>>
    tpu.enqueue_dma source(%dma_start3A_116 : memref<64x256xf32, #tpu.memory_space<hbm>>) target(%dma_start3A_114 : memref<64x256xf32, #tpu.memory_space<vmem>>) target_semaphore(%arg11 : memref<!tpu.dma_semaphore, #tpu.memory_space<semaphore_mem>>)
    %dma_wait3A_117 = arith.constant 1 : i32
    %dma_wait3A_118 = arith.constant 1 : i32
    %dma_wait3A_119 = arith.constant 0 : i32
    %dma_wait3A_120 = arith.constant 0 : i32
    %dma_wait3A_121 = tpu.memref_slice %arg7[%dma_wait3A_118, %dma_wait3A_119, %dma_wait3A_120] : memref<2x64x256xf32, #tpu.memory_space<vmem>> -> memref<1x64x256xf32, #tpu.memory_space<vmem>>
    %dma_wait3A_122 = tpu.memref_squeeze %dma_wait3A_121 : memref<1x64x256xf32, #tpu.memory_space<vmem>> -> memref<64x256xf32, #tpu.memory_space<vmem>>
    %dma_wait3A_123 = arith.constant 0 : i32
    %dma_wait3A_124 = tpu.memref_slice %arg6[%dma_wait3A_117, %dma_wait3A_123] : memref<4x64xi32, #tpu.memory_space<vmem>> -> memref<1x64xi32, #tpu.memory_space<vmem>>
    %dma_wait3A_125 = tpu.memref_squeeze %dma_wait3A_124 : memref<1x64xi32, #tpu.memory_space<vmem>> -> memref<64xi32, #tpu.memory_space<vmem>>
    %dma_wait3A_126 = arith.constant 0 : i32
    %dma_wait3A_127 = arith.constant 0 : i32
    %dma_wait3A_128 = tpu.memref_slice %arg2[%dma_wait3A_126, %dma_wait3A_127] : memref<8192x256xf32, #tpu.memory_space<hbm>> -> memref<8192x256xf32, #tpu.memory_space<hbm>>
    tpu.wait_indirect_dma semaphore(%arg10 : memref<!tpu.dma_semaphore, #tpu.memory_space<semaphore_mem>>) src(%dma_wait3A_128 : memref<8192x256xf32, #tpu.memory_space<hbm>>) dst(%dma_wait3A_122 : memref<64x256xf32, #tpu.memory_space<vmem>>)
    %dma_wait3A_129 = arith.constant 1 : i32
    %dma_wait3A_130 = arith.constant 0 : i32
    %dma_wait3A_131 = arith.constant 0 : i32
    %dma_wait3A_132 = tpu.memref_slice %arg8[%dma_wait3A_129, %dma_wait3A_130, %dma_wait3A_131] : memref<2x64x256xf32, #tpu.memory_space<vmem>> -> memref<1x64x256xf32, #tpu.memory_space<vmem>>
    %dma_wait3A_133 = tpu.memref_squeeze %dma_wait3A_132 : memref<1x64x256xf32, #tpu.memory_space<vmem>> -> memref<64x256xf32, #tpu.memory_space<vmem>>
    %dma_wait3A_134 = arith.constant 0 : i32
    %dma_wait3A_135 = tpu.memref_slice %arg3[%add3A_45, %dma_wait3A_134] : memref<8192x256xf32, #tpu.memory_space<hbm>> -> memref<64x256xf32, #tpu.memory_space<hbm>>
    %dma_wait3A_136 = arith.constant 0 : i32
    %dma_wait3A_137 = arith.constant 0 : i32
    %dma_wait3A_138 = tpu.memref_slice %arg8[%dma_wait3A_129, %dma_wait3A_136, %dma_wait3A_137] : memref<2x64x256xf32, #tpu.memory_space<vmem>> -> memref<1x64x256xf32, #tpu.memory_space<vmem>>
    %dma_wait3A_139 = tpu.memref_squeeze %dma_wait3A_138 : memref<1x64x256xf32, #tpu.memory_space<vmem>> -> memref<64x256xf32, #tpu.memory_space<vmem>>
    %dma_wait3A_140 = arith.constant 0 : i32
    %dma_wait3A_141 = tpu.memref_slice %arg3[%add3A_45, %dma_wait3A_140] : memref<8192x256xf32, #tpu.memory_space<hbm>> -> memref<64x256xf32, #tpu.memory_space<hbm>>
    tpu.wait_dma2 semaphore(%arg11 : memref<!tpu.dma_semaphore, #tpu.memory_space<semaphore_mem>>) src(%dma_wait3A_141 : memref<64x256xf32, #tpu.memory_space<hbm>>) dst(%dma_wait3A_139 : memref<64x256xf32, #tpu.memory_space<vmem>>)
    %scan3A_142 = arith.constant 0 : i32
    %scan3A_143 = arith.constant 64 : i32
    %scan3A_144 = arith.addi %scan3A_142, %scan3A_143 : i32
    %scan3A_145 = arith.constant 1 : i32
    %scan3A_146 = scf.for %scan3A_242 = %scan3A_142 to %scan3A_144 step %scan3A_145 iter_args(%scan3A_243 = %scan3A_86) -> (vector<16xf32>)  : i32 {
      %get3A = arith.constant 1 : i32
      %get3A_244 = arith.index_cast %get3A : i32 to index
      %get3A_245 = arith.index_cast %scan3A_242 : i32 to index
      %get3A_246 = arith.constant 0 : index
      %get3A_247 = tpu.vector_load %arg8[%get3A_244, %get3A_245, %get3A_246] {strides = array<i32>} : memref<2x64x256xf32, #tpu.memory_space<vmem>>, vector<1x1x16xf32>,
      %get3A_248 = vector.shape_cast %get3A_247 : vector<1x1x16xf32> to vector<16xf32>
      %get3A_249 = arith.constant 1 : i32
      %get3A_250 = arith.index_cast %get3A_249 : i32 to index
      %get3A_251 = arith.index_cast %scan3A_242 : i32 to index
      %get3A_252 = arith.constant 0 : index
      %get3A_253 = tpu.vector_load %arg7[%get3A_250, %get3A_251, %get3A_252] {strides = array<i32>} : memref<2x64x256xf32, #tpu.memory_space<vmem>>, vector<1x1x16xf32>,
      %get3A_254 = vector.shape_cast %get3A_253 : vector<1x1x16xf32> to vector<16xf32>
      %sub3A = arith.subf %get3A_248, %get3A_254 : vector<16xf32>
      %abs3A = math.absf %sub3A : vector<16xf32>
      %add3A_255 = arith.addf %scan3A_243, %abs3A : vector<16xf32>
      %get3A_256 = arith.constant 1 : i32
      %get3A_257 = arith.index_cast %get3A_256 : i32 to index
      %get3A_258 = arith.index_cast %scan3A_242 : i32 to index
      %get3A_259 = arith.constant 16 : index
      %get3A_260 = tpu.vector_load %arg8[%get3A_257, %get3A_258, %get3A_259] {strides = array<i32>} : memref<2x64x256xf32, #tpu.memory_space<vmem>>, vector<1x1x16xf32>,
      %get3A_261 = vector.shape_cast %get3A_260 : vector<1x1x16xf32> to vector<16xf32>
      %get3A_262 = arith.constant 1 : i32
      %get3A_263 = arith.index_cast %get3A_262 : i32 to index
      %get3A_264 = arith.index_cast %scan3A_242 : i32 to index
      %get3A_265 = arith.constant 16 : index
      %get3A_266 = tpu.vector_load %arg7[%get3A_263, %get3A_264, %get3A_265] {strides = array<i32>} : memref<2x64x256xf32, #tpu.memory_space<vmem>>, vector<1x1x16xf32>,
      %get3A_267 = vector.shape_cast %get3A_266 : vector<1x1x16xf32> to vector<16xf32>
      %sub3A_268 = arith.subf %get3A_261, %get3A_267 : vector<16xf32>
      %abs3A_269 = math.absf %sub3A_268 : vector<16xf32>
      %add3A_270 = arith.addf %add3A_255, %abs3A_269 : vector<16xf32>
      %get3A_271 = arith.constant 1 : i32
      %get3A_272 = arith.index_cast %get3A_271 : i32 to index
      %get3A_273 = arith.index_cast %scan3A_242 : i32 to index
      %get3A_274 = arith.constant 32 : index
      %get3A_275 = tpu.vector_load %arg8[%get3A_272, %get3A_273, %get3A_274] {strides = array<i32>} : memref<2x64x256xf32, #tpu.memory_space<vmem>>, vector<1x1x16xf32>,
      %get3A_276 = vector.shape_cast %get3A_275 : vector<1x1x16xf32> to vector<16xf32>
      %get3A_277 = arith.constant 1 : i32
      %get3A_278 = arith.index_cast %get3A_277 : i32 to index
      %get3A_279 = arith.index_cast %scan3A_242 : i32 to index
      %get3A_280 = arith.constant 32 : index
      %get3A_281 = tpu.vector_load %arg7[%get3A_278, %get3A_279, %get3A_280] {strides = array<i32>} : memref<2x64x256xf32, #tpu.memory_space<vmem>>, vector<1x1x16xf32>,
      %get3A_282 = vector.shape_cast %get3A_281 : vector<1x1x16xf32> to vector<16xf32>
      %sub3A_283 = arith.subf %get3A_276, %get3A_282 : vector<16xf32>
      %abs3A_284 = math.absf %sub3A_283 : vector<16xf32>
      %add3A_285 = arith.addf %add3A_270, %abs3A_284 : vector<16xf32>
      %get3A_286 = arith.constant 1 : i32
      %get3A_287 = arith.index_cast %get3A_286 : i32 to index
      %get3A_288 = arith.index_cast %scan3A_242 : i32 to index
      %get3A_289 = arith.constant 48 : index
      %get3A_290 = tpu.vector_load %arg8[%get3A_287, %get3A_288, %get3A_289] {strides = array<i32>} : memref<2x64x256xf32, #tpu.memory_space<vmem>>, vector<1x1x16xf32>,
      %get3A_291 = vector.shape_cast %get3A_290 : vector<1x1x16xf32> to vector<16xf32>
      %get3A_292 = arith.constant 1 : i32
      %get3A_293 = arith.index_cast %get3A_292 : i32 to index
      %get3A_294 = arith.index_cast %scan3A_242 : i32 to index
      %get3A_295 = arith.constant 48 : index
      %get3A_296 = tpu.vector_load %arg7[%get3A_293, %get3A_294, %get3A_295] {strides = array<i32>} : memref<2x64x256xf32, #tpu.memory_space<vmem>>, vector<1x1x16xf32>,
      %get3A_297 = vector.shape_cast %get3A_296 : vector<1x1x16xf32> to vector<16xf32>
      %sub3A_298 = arith.subf %get3A_291, %get3A_297 : vector<16xf32>
      %abs3A_299 = math.absf %sub3A_298 : vector<16xf32>
      %add3A_300 = arith.addf %add3A_285, %abs3A_299 : vector<16xf32>
      %get3A_301 = arith.constant 1 : i32
      %get3A_302 = arith.index_cast %get3A_301 : i32 to index
      %get3A_303 = arith.index_cast %scan3A_242 : i32 to index
      %get3A_304 = arith.constant 64 : index
      %get3A_305 = tpu.vector_load %arg8[%get3A_302, %get3A_303, %get3A_304] {strides = array<i32>} : memref<2x64x256xf32, #tpu.memory_space<vmem>>, vector<1x1x16xf32>,
      %get3A_306 = vector.shape_cast %get3A_305 : vector<1x1x16xf32> to vector<16xf32>
      %get3A_307 = arith.constant 1 : i32
      %get3A_308 = arith.index_cast %get3A_307 : i32 to index
      %get3A_309 = arith.index_cast %scan3A_242 : i32 to index
      %get3A_310 = arith.constant 64 : index
      %get3A_311 = tpu.vector_load %arg7[%get3A_308, %get3A_309, %get3A_310] {strides = array<i32>} : memref<2x64x256xf32, #tpu.memory_space<vmem>>, vector<1x1x16xf32>,
      %get3A_312 = vector.shape_cast %get3A_311 : vector<1x1x16xf32> to vector<16xf32>
      %sub3A_313 = arith.subf %get3A_306, %get3A_312 : vector<16xf32>
      %abs3A_314 = math.absf %sub3A_313 : vector<16xf32>
      %add3A_315 = arith.addf %add3A_300, %abs3A_314 : vector<16xf32>
      %get3A_316 = arith.constant 1 : i32
      %get3A_317 = arith.index_cast %get3A_316 : i32 to index
      %get3A_318 = arith.index_cast %scan3A_242 : i32 to index
      %get3A_319 = arith.constant 80 : index
      %get3A_320 = tpu.vector_load %arg8[%get3A_317, %get3A_318, %get3A_319] {strides = array<i32>} : memref<2x64x256xf32, #tpu.memory_space<vmem>>, vector<1x1x16xf32>,
      %get3A_321 = vector.shape_cast %get3A_320 : vector<1x1x16xf32> to vector<16xf32>
      %get3A_322 = arith.constant 1 : i32
      %get3A_323 = arith.index_cast %get3A_322 : i32 to index
      %get3A_324 = arith.index_cast %scan3A_242 : i32 to index
      %get3A_325 = arith.constant 80 : index
      %get3A_326 = tpu.vector_load %arg7[%get3A_323, %get3A_324, %get3A_325] {strides = array<i32>} : memref<2x64x256xf32, #tpu.memory_space<vmem>>, vector<1x1x16xf32>,
      %get3A_327 = vector.shape_cast %get3A_326 : vector<1x1x16xf32> to vector<16xf32>
      %sub3A_328 = arith.subf %get3A_321, %get3A_327 : vector<16xf32>
      %abs3A_329 = math.absf %sub3A_328 : vector<16xf32>
      %add3A_330 = arith.addf %add3A_315, %abs3A_329 : vector<16xf32>
      %get3A_331 = arith.constant 1 : i32
      %get3A_332 = arith.index_cast %get3A_331 : i32 to index
      %get3A_333 = arith.index_cast %scan3A_242 : i32 to index
      %get3A_334 = arith.constant 96 : index
      %get3A_335 = tpu.vector_load %arg8[%get3A_332, %get3A_333, %get3A_334] {strides = array<i32>} : memref<2x64x256xf32, #tpu.memory_space<vmem>>, vector<1x1x16xf32>,
      %get3A_336 = vector.shape_cast %get3A_335 : vector<1x1x16xf32> to vector<16xf32>
      %get3A_337 = arith.constant 1 : i32
      %get3A_338 = arith.index_cast %get3A_337 : i32 to index
      %get3A_339 = arith.index_cast %scan3A_242 : i32 to index
      %get3A_340 = arith.constant 96 : index
      %get3A_341 = tpu.vector_load %arg7[%get3A_338, %get3A_339, %get3A_340] {strides = array<i32>} : memref<2x64x256xf32, #tpu.memory_space<vmem>>, vector<1x1x16xf32>,
      %get3A_342 = vector.shape_cast %get3A_341 : vector<1x1x16xf32> to vector<16xf32>
      %sub3A_343 = arith.subf %get3A_336, %get3A_342 : vector<16xf32>
      %abs3A_344 = math.absf %sub3A_343 : vector<16xf32>
      %add3A_345 = arith.addf %add3A_330, %abs3A_344 : vector<16xf32>
      %get3A_346 = arith.constant 1 : i32
      %get3A_347 = arith.index_cast %get3A_346 : i32 to index
      %get3A_348 = arith.index_cast %scan3A_242 : i32 to index
      %get3A_349 = arith.constant 112 : index
      %get3A_350 = tpu.vector_load %arg8[%get3A_347, %get3A_348, %get3A_349] {strides = array<i32>} : memref<2x64x256xf32, #tpu.memory_space<vmem>>, vector<1x1x16xf32>,
      %get3A_351 = vector.shape_cast %get3A_350 : vector<1x1x16xf32> to vector<16xf32>
      %get3A_352 = arith.constant 1 : i32
      %get3A_353 = arith.index_cast %get3A_352 : i32 to index
      %get3A_354 = arith.index_cast %scan3A_242 : i32 to index
      %get3A_355 = arith.constant 112 : index
      %get3A_356 = tpu.vector_load %arg7[%get3A_353, %get3A_354, %get3A_355] {strides = array<i32>} : memref<2x64x256xf32, #tpu.memory_space<vmem>>, vector<1x1x16xf32>,
      %get3A_357 = vector.shape_cast %get3A_356 : vector<1x1x16xf32> to vector<16xf32>
      %sub3A_358 = arith.subf %get3A_351, %get3A_357 : vector<16xf32>
      %abs3A_359 = math.absf %sub3A_358 : vector<16xf32>
      %add3A_360 = arith.addf %add3A_345, %abs3A_359 : vector<16xf32>
      %get3A_361 = arith.constant 1 : i32
      %get3A_362 = arith.index_cast %get3A_361 : i32 to index
      %get3A_363 = arith.index_cast %scan3A_242 : i32 to index
      %get3A_364 = arith.constant 128 : index
      %get3A_365 = tpu.vector_load %arg8[%get3A_362, %get3A_363, %get3A_364] {strides = array<i32>} : memref<2x64x256xf32, #tpu.memory_space<vmem>>, vector<1x1x16xf32>,
      %get3A_366 = vector.shape_cast %get3A_365 : vector<1x1x16xf32> to vector<16xf32>
      %get3A_367 = arith.constant 1 : i32
      %get3A_368 = arith.index_cast %get3A_367 : i32 to index
      %get3A_369 = arith.index_cast %scan3A_242 : i32 to index
      %get3A_370 = arith.constant 128 : index
      %get3A_371 = tpu.vector_load %arg7[%get3A_368, %get3A_369, %get3A_370] {strides = array<i32>} : memref<2x64x256xf32, #tpu.memory_space<vmem>>, vector<1x1x16xf32>,
      %get3A_372 = vector.shape_cast %get3A_371 : vector<1x1x16xf32> to vector<16xf32>
      %sub3A_373 = arith.subf %get3A_366, %get3A_372 : vector<16xf32>
      %abs3A_374 = math.absf %sub3A_373 : vector<16xf32>
      %add3A_375 = arith.addf %add3A_360, %abs3A_374 : vector<16xf32>
      %get3A_376 = arith.constant 1 : i32
      %get3A_377 = arith.index_cast %get3A_376 : i32 to index
      %get3A_378 = arith.index_cast %scan3A_242 : i32 to index
      %get3A_379 = arith.constant 144 : index
      %get3A_380 = tpu.vector_load %arg8[%get3A_377, %get3A_378, %get3A_379] {strides = array<i32>} : memref<2x64x256xf32, #tpu.memory_space<vmem>>, vector<1x1x16xf32>,
      %get3A_381 = vector.shape_cast %get3A_380 : vector<1x1x16xf32> to vector<16xf32>
      %get3A_382 = arith.constant 1 : i32
      %get3A_383 = arith.index_cast %get3A_382 : i32 to index
      %get3A_384 = arith.index_cast %scan3A_242 : i32 to index
      %get3A_385 = arith.constant 144 : index
      %get3A_386 = tpu.vector_load %arg7[%get3A_383, %get3A_384, %get3A_385] {strides = array<i32>} : memref<2x64x256xf32, #tpu.memory_space<vmem>>, vector<1x1x16xf32>,
      %get3A_387 = vector.shape_cast %get3A_386 : vector<1x1x16xf32> to vector<16xf32>
      %sub3A_388 = arith.subf %get3A_381, %get3A_387 : vector<16xf32>
      %abs3A_389 = math.absf %sub3A_388 : vector<16xf32>
      %add3A_390 = arith.addf %add3A_375, %abs3A_389 : vector<16xf32>
      %get3A_391 = arith.constant 1 : i32
      %get3A_392 = arith.index_cast %get3A_391 : i32 to index
      %get3A_393 = arith.index_cast %scan3A_242 : i32 to index
      %get3A_394 = arith.constant 160 : index
      %get3A_395 = tpu.vector_load %arg8[%get3A_392, %get3A_393, %get3A_394] {strides = array<i32>} : memref<2x64x256xf32, #tpu.memory_space<vmem>>, vector<1x1x16xf32>,
      %get3A_396 = vector.shape_cast %get3A_395 : vector<1x1x16xf32> to vector<16xf32>
      %get3A_397 = arith.constant 1 : i32
      %get3A_398 = arith.index_cast %get3A_397 : i32 to index
      %get3A_399 = arith.index_cast %scan3A_242 : i32 to index
      %get3A_400 = arith.constant 160 : index
      %get3A_401 = tpu.vector_load %arg7[%get3A_398, %get3A_399, %get3A_400] {strides = array<i32>} : memref<2x64x256xf32, #tpu.memory_space<vmem>>, vector<1x1x16xf32>,
      %get3A_402 = vector.shape_cast %get3A_401 : vector<1x1x16xf32> to vector<16xf32>
      %sub3A_403 = arith.subf %get3A_396, %get3A_402 : vector<16xf32>
      %abs3A_404 = math.absf %sub3A_403 : vector<16xf32>
      %add3A_405 = arith.addf %add3A_390, %abs3A_404 : vector<16xf32>
      %get3A_406 = arith.constant 1 : i32
      %get3A_407 = arith.index_cast %get3A_406 : i32 to index
      %get3A_408 = arith.index_cast %scan3A_242 : i32 to index
      %get3A_409 = arith.constant 176 : index
      %get3A_410 = tpu.vector_load %arg8[%get3A_407, %get3A_408, %get3A_409] {strides = array<i32>} : memref<2x64x256xf32, #tpu.memory_space<vmem>>, vector<1x1x16xf32>,
      %get3A_411 = vector.shape_cast %get3A_410 : vector<1x1x16xf32> to vector<16xf32>
      %get3A_412 = arith.constant 1 : i32
      %get3A_413 = arith.index_cast %get3A_412 : i32 to index
      %get3A_414 = arith.index_cast %scan3A_242 : i32 to index
      %get3A_415 = arith.constant 176 : index
      %get3A_416 = tpu.vector_load %arg7[%get3A_413, %get3A_414, %get3A_415] {strides = array<i32>} : memref<2x64x256xf32, #tpu.memory_space<vmem>>, vector<1x1x16xf32>,
      %get3A_417 = vector.shape_cast %get3A_416 : vector<1x1x16xf32> to vector<16xf32>
      %sub3A_418 = arith.subf %get3A_411, %get3A_417 : vector<16xf32>
      %abs3A_419 = math.absf %sub3A_418 : vector<16xf32>
      %add3A_420 = arith.addf %add3A_405, %abs3A_419 : vector<16xf32>
      %get3A_421 = arith.constant 1 : i32
      %get3A_422 = arith.index_cast %get3A_421 : i32 to index
      %get3A_423 = arith.index_cast %scan3A_242 : i32 to index
      %get3A_424 = arith.constant 192 : index
      %get3A_425 = tpu.vector_load %arg8[%get3A_422, %get3A_423, %get3A_424] {strides = array<i32>} : memref<2x64x256xf32, #tpu.memory_space<vmem>>, vector<1x1x16xf32>,
      %get3A_426 = vector.shape_cast %get3A_425 : vector<1x1x16xf32> to vector<16xf32>
      %get3A_427 = arith.constant 1 : i32
      %get3A_428 = arith.index_cast %get3A_427 : i32 to index
      %get3A_429 = arith.index_cast %scan3A_242 : i32 to index
      %get3A_430 = arith.constant 192 : index
      %get3A_431 = tpu.vector_load %arg7[%get3A_428, %get3A_429, %get3A_430] {strides = array<i32>} : memref<2x64x256xf32, #tpu.memory_space<vmem>>, vector<1x1x16xf32>,
      %get3A_432 = vector.shape_cast %get3A_431 : vector<1x1x16xf32> to vector<16xf32>
      %sub3A_433 = arith.subf %get3A_426, %get3A_432 : vector<16xf32>
      %abs3A_434 = math.absf %sub3A_433 : vector<16xf32>
      %add3A_435 = arith.addf %add3A_420, %abs3A_434 : vector<16xf32>
      %get3A_436 = arith.constant 1 : i32
      %get3A_437 = arith.index_cast %get3A_436 : i32 to index
      %get3A_438 = arith.index_cast %scan3A_242 : i32 to index
      %get3A_439 = arith.constant 208 : index
      %get3A_440 = tpu.vector_load %arg8[%get3A_437, %get3A_438, %get3A_439] {strides = array<i32>} : memref<2x64x256xf32, #tpu.memory_space<vmem>>, vector<1x1x16xf32>,
      %get3A_441 = vector.shape_cast %get3A_440 : vector<1x1x16xf32> to vector<16xf32>
      %get3A_442 = arith.constant 1 : i32
      %get3A_443 = arith.index_cast %get3A_442 : i32 to index
      %get3A_444 = arith.index_cast %scan3A_242 : i32 to index
      %get3A_445 = arith.constant 208 : index
      %get3A_446 = tpu.vector_load %arg7[%get3A_443, %get3A_444, %get3A_445] {strides = array<i32>} : memref<2x64x256xf32, #tpu.memory_space<vmem>>, vector<1x1x16xf32>,
      %get3A_447 = vector.shape_cast %get3A_446 : vector<1x1x16xf32> to vector<16xf32>
      %sub3A_448 = arith.subf %get3A_441, %get3A_447 : vector<16xf32>
      %abs3A_449 = math.absf %sub3A_448 : vector<16xf32>
      %add3A_450 = arith.addf %add3A_435, %abs3A_449 : vector<16xf32>
      %get3A_451 = arith.constant 1 : i32
      %get3A_452 = arith.index_cast %get3A_451 : i32 to index
      %get3A_453 = arith.index_cast %scan3A_242 : i32 to index
      %get3A_454 = arith.constant 224 : index
      %get3A_455 = tpu.vector_load %arg8[%get3A_452, %get3A_453, %get3A_454] {strides = array<i32>} : memref<2x64x256xf32, #tpu.memory_space<vmem>>, vector<1x1x16xf32>,
      %get3A_456 = vector.shape_cast %get3A_455 : vector<1x1x16xf32> to vector<16xf32>
      %get3A_457 = arith.constant 1 : i32
      %get3A_458 = arith.index_cast %get3A_457 : i32 to index
      %get3A_459 = arith.index_cast %scan3A_242 : i32 to index
      %get3A_460 = arith.constant 224 : index
      %get3A_461 = tpu.vector_load %arg7[%get3A_458, %get3A_459, %get3A_460] {strides = array<i32>} : memref<2x64x256xf32, #tpu.memory_space<vmem>>, vector<1x1x16xf32>,
      %get3A_462 = vector.shape_cast %get3A_461 : vector<1x1x16xf32> to vector<16xf32>
      %sub3A_463 = arith.subf %get3A_456, %get3A_462 : vector<16xf32>
      %abs3A_464 = math.absf %sub3A_463 : vector<16xf32>
      %add3A_465 = arith.addf %add3A_450, %abs3A_464 : vector<16xf32>
      %get3A_466 = arith.constant 1 : i32
      %get3A_467 = arith.index_cast %get3A_466 : i32 to index
      %get3A_468 = arith.index_cast %scan3A_242 : i32 to index
      %get3A_469 = arith.constant 240 : index
      %get3A_470 = tpu.vector_load %arg8[%get3A_467, %get3A_468, %get3A_469] {strides = array<i32>} : memref<2x64x256xf32, #tpu.memory_space<vmem>>, vector<1x1x16xf32>,
      %get3A_471 = vector.shape_cast %get3A_470 : vector<1x1x16xf32> to vector<16xf32>
      %get3A_472 = arith.constant 1 : i32
      %get3A_473 = arith.index_cast %get3A_472 : i32 to index
      %get3A_474 = arith.index_cast %scan3A_242 : i32 to index
      %get3A_475 = arith.constant 240 : index
      %get3A_476 = tpu.vector_load %arg7[%get3A_473, %get3A_474, %get3A_475] {strides = array<i32>} : memref<2x64x256xf32, #tpu.memory_space<vmem>>, vector<1x1x16xf32>,
      %get3A_477 = vector.shape_cast %get3A_476 : vector<1x1x16xf32> to vector<16xf32>
      %sub3A_478 = arith.subf %get3A_471, %get3A_477 : vector<16xf32>
      %abs3A_479 = math.absf %sub3A_478 : vector<16xf32>
      %add3A_480 = arith.addf %add3A_465, %abs3A_479 : vector<16xf32>
      scf.yield %add3A_480 : vector<16xf32>
    }
    %scan3A_147 = arith.constant 64 : i32
    %dma_start3A_148 = arith.constant 3 : i32
    %dma_start3A_149 = arith.constant 1 : i32
    %dma_start3A_150 = arith.constant 0 : i32
    %dma_start3A_151 = arith.constant 0 : i32
    %dma_start3A_152 = tpu.memref_slice %arg7[%dma_start3A_149, %dma_start3A_150, %dma_start3A_151] : memref<2x64x256xf32, #tpu.memory_space<vmem>> -> memref<1x64x256xf32, #tpu.memory_space<vmem>>
    %dma_start3A_153 = tpu.memref_squeeze %dma_start3A_152 : memref<1x64x256xf32, #tpu.memory_space<vmem>> -> memref<64x256xf32, #tpu.memory_space<vmem>>
    %dma_start3A_154 = arith.constant 0 : i32
    %dma_start3A_155 = tpu.memref_slice %arg6[%dma_start3A_148, %dma_start3A_154] : memref<4x64xi32, #tpu.memory_space<vmem>> -> memref<1x64xi32, #tpu.memory_space<vmem>>
    %dma_start3A_156 = tpu.memref_squeeze %dma_start3A_155 : memref<1x64xi32, #tpu.memory_space<vmem>> -> memref<64xi32, #tpu.memory_space<vmem>>
    %dma_start3A_157 = arith.constant 0 : i32
    %dma_start3A_158 = arith.constant 0 : i32
    %dma_start3A_159 = tpu.memref_slice %arg2[%dma_start3A_157, %dma_start3A_158] : memref<8192x256xf32, #tpu.memory_space<hbm>> -> memref<8192x256xf32, #tpu.memory_space<hbm>>
    tpu.enqueue_indirect_dma source(%dma_start3A_159 : memref<8192x256xf32, #tpu.memory_space<hbm>>) target(%dma_start3A_153 : memref<64x256xf32, #tpu.memory_space<vmem>>) offsets(%dma_start3A_156 : memref<64xi32, #tpu.memory_space<vmem>>) semaphore(%arg10 : memref<!tpu.dma_semaphore, #tpu.memory_space<semaphore_mem>>)
    %mul3A_160 = arith.constant 256 : i32
    %mul3A_161 = arith.muli %add3A, %mul3A_160 : i32
    %add3A_162 = arith.constant 192 : i32
    %add3A_163 = arith.addi %mul3A_161, %add3A_162 : i32
    %dma_start3A_164 = arith.constant 1 : i32
    %dma_start3A_165 = arith.constant 0 : i32
    %dma_start3A_166 = arith.constant 0 : i32
    %dma_start3A_167 = tpu.memref_slice %arg8[%dma_start3A_164, %dma_start3A_165, %dma_start3A_166] : memref<2x64x256xf32, #tpu.memory_space<vmem>> -> memref<1x64x256xf32, #tpu.memory_space<vmem>>
    %dma_start3A_168 = tpu.memref_squeeze %dma_start3A_167 : memref<1x64x256xf32, #tpu.memory_space<vmem>> -> memref<64x256xf32, #tpu.memory_space<vmem>>
    %dma_start3A_169 = arith.constant 0 : i32
    %dma_start3A_170 = tpu.memref_slice %arg3[%add3A_163, %dma_start3A_169] : memref<8192x256xf32, #tpu.memory_space<hbm>> -> memref<64x256xf32, #tpu.memory_space<hbm>>
    %dma_start3A_171 = arith.constant 0 : i32
    %dma_start3A_172 = arith.constant 0 : i32
    %dma_start3A_173 = tpu.memref_slice %arg8[%dma_start3A_164, %dma_start3A_171, %dma_start3A_172] : memref<2x64x256xf32, #tpu.memory_space<vmem>> -> memref<1x64x256xf32, #tpu.memory_space<vmem>>
    %dma_start3A_174 = tpu.memref_squeeze %dma_start3A_173 : memref<1x64x256xf32, #tpu.memory_space<vmem>> -> memref<64x256xf32, #tpu.memory_space<vmem>>
    %dma_start3A_175 = arith.constant 0 : i32
    %dma_start3A_176 = tpu.memref_slice %arg3[%add3A_163, %dma_start3A_175] : memref<8192x256xf32, #tpu.memory_space<hbm>> -> memref<64x256xf32, #tpu.memory_space<hbm>>
    tpu.enqueue_dma source(%dma_start3A_176 : memref<64x256xf32, #tpu.memory_space<hbm>>) target(%dma_start3A_174 : memref<64x256xf32, #tpu.memory_space<vmem>>) target_semaphore(%arg11 : memref<!tpu.dma_semaphore, #tpu.memory_space<semaphore_mem>>)
    %dma_wait3A_177 = arith.constant 2 : i32
    %dma_wait3A_178 = arith.constant 0 : i32
    %dma_wait3A_179 = arith.constant 0 : i32
    %dma_wait3A_180 = arith.constant 0 : i32
    %dma_wait3A_181 = tpu.memref_slice %arg7[%dma_wait3A_178, %dma_wait3A_179, %dma_wait3A_180] : memref<2x64x256xf32, #tpu.memory_space<vmem>> -> memref<1x64x256xf32, #tpu.memory_space<vmem>>
    %dma_wait3A_182 = tpu.memref_squeeze %dma_wait3A_181 : memref<1x64x256xf32, #tpu.memory_space<vmem>> -> memref<64x256xf32, #tpu.memory_space<vmem>>
    %dma_wait3A_183 = arith.constant 0 : i32
    %dma_wait3A_184 = tpu.memref_slice %arg6[%dma_wait3A_177, %dma_wait3A_183] : memref<4x64xi32, #tpu.memory_space<vmem>> -> memref<1x64xi32, #tpu.memory_space<vmem>>
    %dma_wait3A_185 = tpu.memref_squeeze %dma_wait3A_184 : memref<1x64xi32, #tpu.memory_space<vmem>> -> memref<64xi32, #tpu.memory_space<vmem>>
    %dma_wait3A_186 = arith.constant 0 : i32
    %dma_wait3A_187 = arith.constant 0 : i32
    %dma_wait3A_188 = tpu.memref_slice %arg2[%dma_wait3A_186, %dma_wait3A_187] : memref<8192x256xf32, #tpu.memory_space<hbm>> -> memref<8192x256xf32, #tpu.memory_space<hbm>>
    tpu.wait_indirect_dma semaphore(%arg10 : memref<!tpu.dma_semaphore, #tpu.memory_space<semaphore_mem>>) src(%dma_wait3A_188 : memref<8192x256xf32, #tpu.memory_space<hbm>>) dst(%dma_wait3A_182 : memref<64x256xf32, #tpu.memory_space<vmem>>)
    %dma_wait3A_189 = arith.constant 0 : i32
    %dma_wait3A_190 = arith.constant 0 : i32
    %dma_wait3A_191 = arith.constant 0 : i32
    %dma_wait3A_192 = tpu.memref_slice %arg8[%dma_wait3A_189, %dma_wait3A_190, %dma_wait3A_191] : memref<2x64x256xf32, #tpu.memory_space<vmem>> -> memref<1x64x256xf32, #tpu.memory_space<vmem>>
    %dma_wait3A_193 = tpu.memref_squeeze %dma_wait3A_192 : memref<1x64x256xf32, #tpu.memory_space<vmem>> -> memref<64x256xf32, #tpu.memory_space<vmem>>
    %dma_wait3A_194 = arith.constant 0 : i32
    %dma_wait3A_195 = tpu.memref_slice %arg3[%add3A_103, %dma_wait3A_194] : memref<8192x256xf32, #tpu.memory_space<hbm>> -> memref<64x256xf32, #tpu.memory_space<hbm>>
    %dma_wait3A_196 = arith.constant 0 : i32
    %dma_wait3A_197 = arith.constant 0 : i32
    %dma_wait3A_198 = tpu.memref_slice %arg8[%dma_wait3A_189, %dma_wait3A_196, %dma_wait3A_197] : memref<2x64x256xf32, #tpu.memory_space<vmem>> -> memref<1x64x256xf32, #tpu.memory_space<vmem>>
    %dma_wait3A_199 = tpu.memref_squeeze %dma_wait3A_198 : memref<1x64x256xf32, #tpu.memory_space<vmem>> -> memref<64x256xf32, #tpu.memory_space<vmem>>
    %dma_wait3A_200 = arith.constant 0 : i32
    %dma_wait3A_201 = tpu.memref_slice %arg3[%add3A_103, %dma_wait3A_200] : memref<8192x256xf32, #tpu.memory_space<hbm>> -> memref<64x256xf32, #tpu.memory_space<hbm>>
    tpu.wait_dma2 semaphore(%arg11 : memref<!tpu.dma_semaphore, #tpu.memory_space<semaphore_mem>>) src(%dma_wait3A_201 : memref<64x256xf32, #tpu.memory_space<hbm>>) dst(%dma_wait3A_199 : memref<64x256xf32, #tpu.memory_space<vmem>>)
    %scan3A_202 = arith.constant 0 : i32
    %scan3A_203 = arith.constant 64 : i32
    %scan3A_204 = arith.addi %scan3A_202, %scan3A_203 : i32
    %scan3A_205 = arith.constant 1 : i32
    %scan3A_206 = scf.for %scan3A_242 = %scan3A_202 to %scan3A_204 step %scan3A_205 iter_args(%scan3A_243 = %scan3A_146) -> (vector<16xf32>)  : i32 {
      %get3A = arith.constant 0 : i32
      %get3A_244 = arith.index_cast %get3A : i32 to index
      %get3A_245 = arith.index_cast %scan3A_242 : i32 to index
      %get3A_246 = arith.constant 0 : index
      %get3A_247 = tpu.vector_load %arg8[%get3A_244, %get3A_245, %get3A_246] {strides = array<i32>} : memref<2x64x256xf32, #tpu.memory_space<vmem>>, vector<1x1x16xf32>,
      %get3A_248 = vector.shape_cast %get3A_247 : vector<1x1x16xf32> to vector<16xf32>
      %get3A_249 = arith.constant 0 : i32
      %get3A_250 = arith.index_cast %get3A_249 : i32 to index
      %get3A_251 = arith.index_cast %scan3A_242 : i32 to index
      %get3A_252 = arith.constant 0 : index
      %get3A_253 = tpu.vector_load %arg7[%get3A_250, %get3A_251, %get3A_252] {strides = array<i32>} : memref<2x64x256xf32, #tpu.memory_space<vmem>>, vector<1x1x16xf32>,
      %get3A_254 = vector.shape_cast %get3A_253 : vector<1x1x16xf32> to vector<16xf32>
      %sub3A = arith.subf %get3A_248, %get3A_254 : vector<16xf32>
      %abs3A = math.absf %sub3A : vector<16xf32>
      %add3A_255 = arith.addf %scan3A_243, %abs3A : vector<16xf32>
      %get3A_256 = arith.constant 0 : i32
      %get3A_257 = arith.index_cast %get3A_256 : i32 to index
      %get3A_258 = arith.index_cast %scan3A_242 : i32 to index
      %get3A_259 = arith.constant 16 : index
      %get3A_260 = tpu.vector_load %arg8[%get3A_257, %get3A_258, %get3A_259] {strides = array<i32>} : memref<2x64x256xf32, #tpu.memory_space<vmem>>, vector<1x1x16xf32>,
      %get3A_261 = vector.shape_cast %get3A_260 : vector<1x1x16xf32> to vector<16xf32>
      %get3A_262 = arith.constant 0 : i32
      %get3A_263 = arith.index_cast %get3A_262 : i32 to index
      %get3A_264 = arith.index_cast %scan3A_242 : i32 to index
      %get3A_265 = arith.constant 16 : index
      %get3A_266 = tpu.vector_load %arg7[%get3A_263, %get3A_264, %get3A_265] {strides = array<i32>} : memref<2x64x256xf32, #tpu.memory_space<vmem>>, vector<1x1x16xf32>,
      %get3A_267 = vector.shape_cast %get3A_266 : vector<1x1x16xf32> to vector<16xf32>
      %sub3A_268 = arith.subf %get3A_261, %get3A_267 : vector<16xf32>
      %abs3A_269 = math.absf %sub3A_268 : vector<16xf32>
      %add3A_270 = arith.addf %add3A_255, %abs3A_269 : vector<16xf32>
      %get3A_271 = arith.constant 0 : i32
      %get3A_272 = arith.index_cast %get3A_271 : i32 to index
      %get3A_273 = arith.index_cast %scan3A_242 : i32 to index
      %get3A_274 = arith.constant 32 : index
      %get3A_275 = tpu.vector_load %arg8[%get3A_272, %get3A_273, %get3A_274] {strides = array<i32>} : memref<2x64x256xf32, #tpu.memory_space<vmem>>, vector<1x1x16xf32>,
      %get3A_276 = vector.shape_cast %get3A_275 : vector<1x1x16xf32> to vector<16xf32>
      %get3A_277 = arith.constant 0 : i32
      %get3A_278 = arith.index_cast %get3A_277 : i32 to index
      %get3A_279 = arith.index_cast %scan3A_242 : i32 to index
      %get3A_280 = arith.constant 32 : index
      %get3A_281 = tpu.vector_load %arg7[%get3A_278, %get3A_279, %get3A_280] {strides = array<i32>} : memref<2x64x256xf32, #tpu.memory_space<vmem>>, vector<1x1x16xf32>,
      %get3A_282 = vector.shape_cast %get3A_281 : vector<1x1x16xf32> to vector<16xf32>
      %sub3A_283 = arith.subf %get3A_276, %get3A_282 : vector<16xf32>
      %abs3A_284 = math.absf %sub3A_283 : vector<16xf32>
      %add3A_285 = arith.addf %add3A_270, %abs3A_284 : vector<16xf32>
      %get3A_286 = arith.constant 0 : i32
      %get3A_287 = arith.index_cast %get3A_286 : i32 to index
      %get3A_288 = arith.index_cast %scan3A_242 : i32 to index
      %get3A_289 = arith.constant 48 : index
      %get3A_290 = tpu.vector_load %arg8[%get3A_287, %get3A_288, %get3A_289] {strides = array<i32>} : memref<2x64x256xf32, #tpu.memory_space<vmem>>, vector<1x1x16xf32>,
      %get3A_291 = vector.shape_cast %get3A_290 : vector<1x1x16xf32> to vector<16xf32>
      %get3A_292 = arith.constant 0 : i32
      %get3A_293 = arith.index_cast %get3A_292 : i32 to index
      %get3A_294 = arith.index_cast %scan3A_242 : i32 to index
      %get3A_295 = arith.constant 48 : index
      %get3A_296 = tpu.vector_load %arg7[%get3A_293, %get3A_294, %get3A_295] {strides = array<i32>} : memref<2x64x256xf32, #tpu.memory_space<vmem>>, vector<1x1x16xf32>,
      %get3A_297 = vector.shape_cast %get3A_296 : vector<1x1x16xf32> to vector<16xf32>
      %sub3A_298 = arith.subf %get3A_291, %get3A_297 : vector<16xf32>
      %abs3A_299 = math.absf %sub3A_298 : vector<16xf32>
      %add3A_300 = arith.addf %add3A_285, %abs3A_299 : vector<16xf32>
      %get3A_301 = arith.constant 0 : i32
      %get3A_302 = arith.index_cast %get3A_301 : i32 to index
      %get3A_303 = arith.index_cast %scan3A_242 : i32 to index
      %get3A_304 = arith.constant 64 : index
      %get3A_305 = tpu.vector_load %arg8[%get3A_302, %get3A_303, %get3A_304] {strides = array<i32>} : memref<2x64x256xf32, #tpu.memory_space<vmem>>, vector<1x1x16xf32>,
      %get3A_306 = vector.shape_cast %get3A_305 : vector<1x1x16xf32> to vector<16xf32>
      %get3A_307 = arith.constant 0 : i32
      %get3A_308 = arith.index_cast %get3A_307 : i32 to index
      %get3A_309 = arith.index_cast %scan3A_242 : i32 to index
      %get3A_310 = arith.constant 64 : index
      %get3A_311 = tpu.vector_load %arg7[%get3A_308, %get3A_309, %get3A_310] {strides = array<i32>} : memref<2x64x256xf32, #tpu.memory_space<vmem>>, vector<1x1x16xf32>,
      %get3A_312 = vector.shape_cast %get3A_311 : vector<1x1x16xf32> to vector<16xf32>
      %sub3A_313 = arith.subf %get3A_306, %get3A_312 : vector<16xf32>
      %abs3A_314 = math.absf %sub3A_313 : vector<16xf32>
      %add3A_315 = arith.addf %add3A_300, %abs3A_314 : vector<16xf32>
      %get3A_316 = arith.constant 0 : i32
      %get3A_317 = arith.index_cast %get3A_316 : i32 to index
      %get3A_318 = arith.index_cast %scan3A_242 : i32 to index
      %get3A_319 = arith.constant 80 : index
      %get3A_320 = tpu.vector_load %arg8[%get3A_317, %get3A_318, %get3A_319] {strides = array<i32>} : memref<2x64x256xf32, #tpu.memory_space<vmem>>, vector<1x1x16xf32>,
      %get3A_321 = vector.shape_cast %get3A_320 : vector<1x1x16xf32> to vector<16xf32>
      %get3A_322 = arith.constant 0 : i32
      %get3A_323 = arith.index_cast %get3A_322 : i32 to index
      %get3A_324 = arith.index_cast %scan3A_242 : i32 to index
      %get3A_325 = arith.constant 80 : index
      %get3A_326 = tpu.vector_load %arg7[%get3A_323, %get3A_324, %get3A_325] {strides = array<i32>} : memref<2x64x256xf32, #tpu.memory_space<vmem>>, vector<1x1x16xf32>,
      %get3A_327 = vector.shape_cast %get3A_326 : vector<1x1x16xf32> to vector<16xf32>
      %sub3A_328 = arith.subf %get3A_321, %get3A_327 : vector<16xf32>
      %abs3A_329 = math.absf %sub3A_328 : vector<16xf32>
      %add3A_330 = arith.addf %add3A_315, %abs3A_329 : vector<16xf32>
      %get3A_331 = arith.constant 0 : i32
      %get3A_332 = arith.index_cast %get3A_331 : i32 to index
      %get3A_333 = arith.index_cast %scan3A_242 : i32 to index
      %get3A_334 = arith.constant 96 : index
      %get3A_335 = tpu.vector_load %arg8[%get3A_332, %get3A_333, %get3A_334] {strides = array<i32>} : memref<2x64x256xf32, #tpu.memory_space<vmem>>, vector<1x1x16xf32>,
      %get3A_336 = vector.shape_cast %get3A_335 : vector<1x1x16xf32> to vector<16xf32>
      %get3A_337 = arith.constant 0 : i32
      %get3A_338 = arith.index_cast %get3A_337 : i32 to index
      %get3A_339 = arith.index_cast %scan3A_242 : i32 to index
      %get3A_340 = arith.constant 96 : index
      %get3A_341 = tpu.vector_load %arg7[%get3A_338, %get3A_339, %get3A_340] {strides = array<i32>} : memref<2x64x256xf32, #tpu.memory_space<vmem>>, vector<1x1x16xf32>,
      %get3A_342 = vector.shape_cast %get3A_341 : vector<1x1x16xf32> to vector<16xf32>
      %sub3A_343 = arith.subf %get3A_336, %get3A_342 : vector<16xf32>
      %abs3A_344 = math.absf %sub3A_343 : vector<16xf32>
      %add3A_345 = arith.addf %add3A_330, %abs3A_344 : vector<16xf32>
      %get3A_346 = arith.constant 0 : i32
      %get3A_347 = arith.index_cast %get3A_346 : i32 to index
      %get3A_348 = arith.index_cast %scan3A_242 : i32 to index
      %get3A_349 = arith.constant 112 : index
      %get3A_350 = tpu.vector_load %arg8[%get3A_347, %get3A_348, %get3A_349] {strides = array<i32>} : memref<2x64x256xf32, #tpu.memory_space<vmem>>, vector<1x1x16xf32>,
      %get3A_351 = vector.shape_cast %get3A_350 : vector<1x1x16xf32> to vector<16xf32>
      %get3A_352 = arith.constant 0 : i32
      %get3A_353 = arith.index_cast %get3A_352 : i32 to index
      %get3A_354 = arith.index_cast %scan3A_242 : i32 to index
      %get3A_355 = arith.constant 112 : index
      %get3A_356 = tpu.vector_load %arg7[%get3A_353, %get3A_354, %get3A_355] {strides = array<i32>} : memref<2x64x256xf32, #tpu.memory_space<vmem>>, vector<1x1x16xf32>,
      %get3A_357 = vector.shape_cast %get3A_356 : vector<1x1x16xf32> to vector<16xf32>
      %sub3A_358 = arith.subf %get3A_351, %get3A_357 : vector<16xf32>
      %abs3A_359 = math.absf %sub3A_358 : vector<16xf32>
      %add3A_360 = arith.addf %add3A_345, %abs3A_359 : vector<16xf32>
      %get3A_361 = arith.constant 0 : i32
      %get3A_362 = arith.index_cast %get3A_361 : i32 to index
      %get3A_363 = arith.index_cast %scan3A_242 : i32 to index
      %get3A_364 = arith.constant 128 : index
      %get3A_365 = tpu.vector_load %arg8[%get3A_362, %get3A_363, %get3A_364] {strides = array<i32>} : memref<2x64x256xf32, #tpu.memory_space<vmem>>, vector<1x1x16xf32>,
      %get3A_366 = vector.shape_cast %get3A_365 : vector<1x1x16xf32> to vector<16xf32>
      %get3A_367 = arith.constant 0 : i32
      %get3A_368 = arith.index_cast %get3A_367 : i32 to index
      %get3A_369 = arith.index_cast %scan3A_242 : i32 to index
      %get3A_370 = arith.constant 128 : index
      %get3A_371 = tpu.vector_load %arg7[%get3A_368, %get3A_369, %get3A_370] {strides = array<i32>} : memref<2x64x256xf32, #tpu.memory_space<vmem>>, vector<1x1x16xf32>,
      %get3A_372 = vector.shape_cast %get3A_371 : vector<1x1x16xf32> to vector<16xf32>
      %sub3A_373 = arith.subf %get3A_366, %get3A_372 : vector<16xf32>
      %abs3A_374 = math.absf %sub3A_373 : vector<16xf32>
      %add3A_375 = arith.addf %add3A_360, %abs3A_374 : vector<16xf32>
      %get3A_376 = arith.constant 0 : i32
      %get3A_377 = arith.index_cast %get3A_376 : i32 to index
      %get3A_378 = arith.index_cast %scan3A_242 : i32 to index
      %get3A_379 = arith.constant 144 : index
      %get3A_380 = tpu.vector_load %arg8[%get3A_377, %get3A_378, %get3A_379] {strides = array<i32>} : memref<2x64x256xf32, #tpu.memory_space<vmem>>, vector<1x1x16xf32>,
      %get3A_381 = vector.shape_cast %get3A_380 : vector<1x1x16xf32> to vector<16xf32>
      %get3A_382 = arith.constant 0 : i32
      %get3A_383 = arith.index_cast %get3A_382 : i32 to index
      %get3A_384 = arith.index_cast %scan3A_242 : i32 to index
      %get3A_385 = arith.constant 144 : index
      %get3A_386 = tpu.vector_load %arg7[%get3A_383, %get3A_384, %get3A_385] {strides = array<i32>} : memref<2x64x256xf32, #tpu.memory_space<vmem>>, vector<1x1x16xf32>,
      %get3A_387 = vector.shape_cast %get3A_386 : vector<1x1x16xf32> to vector<16xf32>
      %sub3A_388 = arith.subf %get3A_381, %get3A_387 : vector<16xf32>
      %abs3A_389 = math.absf %sub3A_388 : vector<16xf32>
      %add3A_390 = arith.addf %add3A_375, %abs3A_389 : vector<16xf32>
      %get3A_391 = arith.constant 0 : i32
      %get3A_392 = arith.index_cast %get3A_391 : i32 to index
      %get3A_393 = arith.index_cast %scan3A_242 : i32 to index
      %get3A_394 = arith.constant 160 : index
      %get3A_395 = tpu.vector_load %arg8[%get3A_392, %get3A_393, %get3A_394] {strides = array<i32>} : memref<2x64x256xf32, #tpu.memory_space<vmem>>, vector<1x1x16xf32>,
      %get3A_396 = vector.shape_cast %get3A_395 : vector<1x1x16xf32> to vector<16xf32>
      %get3A_397 = arith.constant 0 : i32
      %get3A_398 = arith.index_cast %get3A_397 : i32 to index
      %get3A_399 = arith.index_cast %scan3A_242 : i32 to index
      %get3A_400 = arith.constant 160 : index
      %get3A_401 = tpu.vector_load %arg7[%get3A_398, %get3A_399, %get3A_400] {strides = array<i32>} : memref<2x64x256xf32, #tpu.memory_space<vmem>>, vector<1x1x16xf32>,
      %get3A_402 = vector.shape_cast %get3A_401 : vector<1x1x16xf32> to vector<16xf32>
      %sub3A_403 = arith.subf %get3A_396, %get3A_402 : vector<16xf32>
      %abs3A_404 = math.absf %sub3A_403 : vector<16xf32>
      %add3A_405 = arith.addf %add3A_390, %abs3A_404 : vector<16xf32>
      %get3A_406 = arith.constant 0 : i32
      %get3A_407 = arith.index_cast %get3A_406 : i32 to index
      %get3A_408 = arith.index_cast %scan3A_242 : i32 to index
      %get3A_409 = arith.constant 176 : index
      %get3A_410 = tpu.vector_load %arg8[%get3A_407, %get3A_408, %get3A_409] {strides = array<i32>} : memref<2x64x256xf32, #tpu.memory_space<vmem>>, vector<1x1x16xf32>,
      %get3A_411 = vector.shape_cast %get3A_410 : vector<1x1x16xf32> to vector<16xf32>
      %get3A_412 = arith.constant 0 : i32
      %get3A_413 = arith.index_cast %get3A_412 : i32 to index
      %get3A_414 = arith.index_cast %scan3A_242 : i32 to index
      %get3A_415 = arith.constant 176 : index
      %get3A_416 = tpu.vector_load %arg7[%get3A_413, %get3A_414, %get3A_415] {strides = array<i32>} : memref<2x64x256xf32, #tpu.memory_space<vmem>>, vector<1x1x16xf32>,
      %get3A_417 = vector.shape_cast %get3A_416 : vector<1x1x16xf32> to vector<16xf32>
      %sub3A_418 = arith.subf %get3A_411, %get3A_417 : vector<16xf32>
      %abs3A_419 = math.absf %sub3A_418 : vector<16xf32>
      %add3A_420 = arith.addf %add3A_405, %abs3A_419 : vector<16xf32>
      %get3A_421 = arith.constant 0 : i32
      %get3A_422 = arith.index_cast %get3A_421 : i32 to index
      %get3A_423 = arith.index_cast %scan3A_242 : i32 to index
      %get3A_424 = arith.constant 192 : index
      %get3A_425 = tpu.vector_load %arg8[%get3A_422, %get3A_423, %get3A_424] {strides = array<i32>} : memref<2x64x256xf32, #tpu.memory_space<vmem>>, vector<1x1x16xf32>,
      %get3A_426 = vector.shape_cast %get3A_425 : vector<1x1x16xf32> to vector<16xf32>
      %get3A_427 = arith.constant 0 : i32
      %get3A_428 = arith.index_cast %get3A_427 : i32 to index
      %get3A_429 = arith.index_cast %scan3A_242 : i32 to index
      %get3A_430 = arith.constant 192 : index
      %get3A_431 = tpu.vector_load %arg7[%get3A_428, %get3A_429, %get3A_430] {strides = array<i32>} : memref<2x64x256xf32, #tpu.memory_space<vmem>>, vector<1x1x16xf32>,
      %get3A_432 = vector.shape_cast %get3A_431 : vector<1x1x16xf32> to vector<16xf32>
      %sub3A_433 = arith.subf %get3A_426, %get3A_432 : vector<16xf32>
      %abs3A_434 = math.absf %sub3A_433 : vector<16xf32>
      %add3A_435 = arith.addf %add3A_420, %abs3A_434 : vector<16xf32>
      %get3A_436 = arith.constant 0 : i32
      %get3A_437 = arith.index_cast %get3A_436 : i32 to index
      %get3A_438 = arith.index_cast %scan3A_242 : i32 to index
      %get3A_439 = arith.constant 208 : index
      %get3A_440 = tpu.vector_load %arg8[%get3A_437, %get3A_438, %get3A_439] {strides = array<i32>} : memref<2x64x256xf32, #tpu.memory_space<vmem>>, vector<1x1x16xf32>,
      %get3A_441 = vector.shape_cast %get3A_440 : vector<1x1x16xf32> to vector<16xf32>
      %get3A_442 = arith.constant 0 : i32
      %get3A_443 = arith.index_cast %get3A_442 : i32 to index
      %get3A_444 = arith.index_cast %scan3A_242 : i32 to index
      %get3A_445 = arith.constant 208 : index
      %get3A_446 = tpu.vector_load %arg7[%get3A_443, %get3A_444, %get3A_445] {strides = array<i32>} : memref<2x64x256xf32, #tpu.memory_space<vmem>>, vector<1x1x16xf32>,
      %get3A_447 = vector.shape_cast %get3A_446 : vector<1x1x16xf32> to vector<16xf32>
      %sub3A_448 = arith.subf %get3A_441, %get3A_447 : vector<16xf32>
      %abs3A_449 = math.absf %sub3A_448 : vector<16xf32>
      %add3A_450 = arith.addf %add3A_435, %abs3A_449 : vector<16xf32>
      %get3A_451 = arith.constant 0 : i32
      %get3A_452 = arith.index_cast %get3A_451 : i32 to index
      %get3A_453 = arith.index_cast %scan3A_242 : i32 to index
      %get3A_454 = arith.constant 224 : index
      %get3A_455 = tpu.vector_load %arg8[%get3A_452, %get3A_453, %get3A_454] {strides = array<i32>} : memref<2x64x256xf32, #tpu.memory_space<vmem>>, vector<1x1x16xf32>,
      %get3A_456 = vector.shape_cast %get3A_455 : vector<1x1x16xf32> to vector<16xf32>
      %get3A_457 = arith.constant 0 : i32
      %get3A_458 = arith.index_cast %get3A_457 : i32 to index
      %get3A_459 = arith.index_cast %scan3A_242 : i32 to index
      %get3A_460 = arith.constant 224 : index
      %get3A_461 = tpu.vector_load %arg7[%get3A_458, %get3A_459, %get3A_460] {strides = array<i32>} : memref<2x64x256xf32, #tpu.memory_space<vmem>>, vector<1x1x16xf32>,
      %get3A_462 = vector.shape_cast %get3A_461 : vector<1x1x16xf32> to vector<16xf32>
      %sub3A_463 = arith.subf %get3A_456, %get3A_462 : vector<16xf32>
      %abs3A_464 = math.absf %sub3A_463 : vector<16xf32>
      %add3A_465 = arith.addf %add3A_450, %abs3A_464 : vector<16xf32>
      %get3A_466 = arith.constant 0 : i32
      %get3A_467 = arith.index_cast %get3A_466 : i32 to index
      %get3A_468 = arith.index_cast %scan3A_242 : i32 to index
      %get3A_469 = arith.constant 240 : index
      %get3A_470 = tpu.vector_load %arg8[%get3A_467, %get3A_468, %get3A_469] {strides = array<i32>} : memref<2x64x256xf32, #tpu.memory_space<vmem>>, vector<1x1x16xf32>,
      %get3A_471 = vector.shape_cast %get3A_470 : vector<1x1x16xf32> to vector<16xf32>
      %get3A_472 = arith.constant 0 : i32
      %get3A_473 = arith.index_cast %get3A_472 : i32 to index
      %get3A_474 = arith.index_cast %scan3A_242 : i32 to index
      %get3A_475 = arith.constant 240 : index
      %get3A_476 = tpu.vector_load %arg7[%get3A_473, %get3A_474, %get3A_475] {strides = array<i32>} : memref<2x64x256xf32, #tpu.memory_space<vmem>>, vector<1x1x16xf32>,
      %get3A_477 = vector.shape_cast %get3A_476 : vector<1x1x16xf32> to vector<16xf32>
      %sub3A_478 = arith.subf %get3A_471, %get3A_477 : vector<16xf32>
      %abs3A_479 = math.absf %sub3A_478 : vector<16xf32>
      %add3A_480 = arith.addf %add3A_465, %abs3A_479 : vector<16xf32>
      scf.yield %add3A_480 : vector<16xf32>
    }
    %scan3A_207 = arith.constant 64 : i32
    %dma_wait3A_208 = arith.constant 3 : i32
    %dma_wait3A_209 = arith.constant 1 : i32
    %dma_wait3A_210 = arith.constant 0 : i32
    %dma_wait3A_211 = arith.constant 0 : i32
    %dma_wait3A_212 = tpu.memref_slice %arg7[%dma_wait3A_209, %dma_wait3A_210, %dma_wait3A_211] : memref<2x64x256xf32, #tpu.memory_space<vmem>> -> memref<1x64x256xf32, #tpu.memory_space<vmem>>
    %dma_wait3A_213 = tpu.memref_squeeze %dma_wait3A_212 : memref<1x64x256xf32, #tpu.memory_space<vmem>> -> memref<64x256xf32, #tpu.memory_space<vmem>>
    %dma_wait3A_214 = arith.constant 0 : i32
    %dma_wait3A_215 = tpu.memref_slice %arg6[%dma_wait3A_208, %dma_wait3A_214] : memref<4x64xi32, #tpu.memory_space<vmem>> -> memref<1x64xi32, #tpu.memory_space<vmem>>
    %dma_wait3A_216 = tpu.memref_squeeze %dma_wait3A_215 : memref<1x64xi32, #tpu.memory_space<vmem>> -> memref<64xi32, #tpu.memory_space<vmem>>
    %dma_wait3A_217 = arith.constant 0 : i32
    %dma_wait3A_218 = arith.constant 0 : i32
    %dma_wait3A_219 = tpu.memref_slice %arg2[%dma_wait3A_217, %dma_wait3A_218] : memref<8192x256xf32, #tpu.memory_space<hbm>> -> memref<8192x256xf32, #tpu.memory_space<hbm>>
    tpu.wait_indirect_dma semaphore(%arg10 : memref<!tpu.dma_semaphore, #tpu.memory_space<semaphore_mem>>) src(%dma_wait3A_219 : memref<8192x256xf32, #tpu.memory_space<hbm>>) dst(%dma_wait3A_213 : memref<64x256xf32, #tpu.memory_space<vmem>>)
    %dma_wait3A_220 = arith.constant 1 : i32
    %dma_wait3A_221 = arith.constant 0 : i32
    %dma_wait3A_222 = arith.constant 0 : i32
    %dma_wait3A_223 = tpu.memref_slice %arg8[%dma_wait3A_220, %dma_wait3A_221, %dma_wait3A_222] : memref<2x64x256xf32, #tpu.memory_space<vmem>> -> memref<1x64x256xf32, #tpu.memory_space<vmem>>
    %dma_wait3A_224 = tpu.memref_squeeze %dma_wait3A_223 : memref<1x64x256xf32, #tpu.memory_space<vmem>> -> memref<64x256xf32, #tpu.memory_space<vmem>>
    %dma_wait3A_225 = arith.constant 0 : i32
    %dma_wait3A_226 = tpu.memref_slice %arg3[%add3A_163, %dma_wait3A_225] : memref<8192x256xf32, #tpu.memory_space<hbm>> -> memref<64x256xf32, #tpu.memory_space<hbm>>
    %dma_wait3A_227 = arith.constant 0 : i32
    %dma_wait3A_228 = arith.constant 0 : i32
    %dma_wait3A_229 = tpu.memref_slice %arg8[%dma_wait3A_220, %dma_wait3A_227, %dma_wait3A_228] : memref<2x64x256xf32, #tpu.memory_space<vmem>> -> memref<1x64x256xf32, #tpu.memory_space<vmem>>
    %dma_wait3A_230 = tpu.memref_squeeze %dma_wait3A_229 : memref<1x64x256xf32, #tpu.memory_space<vmem>> -> memref<64x256xf32, #tpu.memory_space<vmem>>
    %dma_wait3A_231 = arith.constant 0 : i32
    %dma_wait3A_232 = tpu.memref_slice %arg3[%add3A_163, %dma_wait3A_231] : memref<8192x256xf32, #tpu.memory_space<hbm>> -> memref<64x256xf32, #tpu.memory_space<hbm>>
    tpu.wait_dma2 semaphore(%arg11 : memref<!tpu.dma_semaphore, #tpu.memory_space<semaphore_mem>>) src(%dma_wait3A_232 : memref<64x256xf32, #tpu.memory_space<hbm>>) dst(%dma_wait3A_230 : memref<64x256xf32, #tpu.memory_space<vmem>>)
    %scan3A_233 = arith.constant 0 : i32
    %scan3A_234 = arith.constant 64 : i32
    %scan3A_235 = arith.addi %scan3A_233, %scan3A_234 : i32
    %scan3A_236 = arith.constant 1 : i32
    %scan3A_237 = scf.for %scan3A_242 = %scan3A_233 to %scan3A_235 step %scan3A_236 iter_args(%scan3A_243 = %scan3A_206) -> (vector<16xf32>)  : i32 {
      %get3A = arith.constant 1 : i32
      %get3A_244 = arith.index_cast %get3A : i32 to index
      %get3A_245 = arith.index_cast %scan3A_242 : i32 to index
      %get3A_246 = arith.constant 0 : index
      %get3A_247 = tpu.vector_load %arg8[%get3A_244, %get3A_245, %get3A_246] {strides = array<i32>} : memref<2x64x256xf32, #tpu.memory_space<vmem>>, vector<1x1x16xf32>,
      %get3A_248 = vector.shape_cast %get3A_247 : vector<1x1x16xf32> to vector<16xf32>
      %get3A_249 = arith.constant 1 : i32
      %get3A_250 = arith.index_cast %get3A_249 : i32 to index
      %get3A_251 = arith.index_cast %scan3A_242 : i32 to index
      %get3A_252 = arith.constant 0 : index
      %get3A_253 = tpu.vector_load %arg7[%get3A_250, %get3A_251, %get3A_252] {strides = array<i32>} : memref<2x64x256xf32, #tpu.memory_space<vmem>>, vector<1x1x16xf32>,
      %get3A_254 = vector.shape_cast %get3A_253 : vector<1x1x16xf32> to vector<16xf32>
      %sub3A = arith.subf %get3A_248, %get3A_254 : vector<16xf32>
      %abs3A = math.absf %sub3A : vector<16xf32>
      %add3A_255 = arith.addf %scan3A_243, %abs3A : vector<16xf32>
      %get3A_256 = arith.constant 1 : i32
      %get3A_257 = arith.index_cast %get3A_256 : i32 to index
      %get3A_258 = arith.index_cast %scan3A_242 : i32 to index
      %get3A_259 = arith.constant 16 : index
      %get3A_260 = tpu.vector_load %arg8[%get3A_257, %get3A_258, %get3A_259] {strides = array<i32>} : memref<2x64x256xf32, #tpu.memory_space<vmem>>, vector<1x1x16xf32>,
      %get3A_261 = vector.shape_cast %get3A_260 : vector<1x1x16xf32> to vector<16xf32>
      %get3A_262 = arith.constant 1 : i32
      %get3A_263 = arith.index_cast %get3A_262 : i32 to index
      %get3A_264 = arith.index_cast %scan3A_242 : i32 to index
      %get3A_265 = arith.constant 16 : index
      %get3A_266 = tpu.vector_load %arg7[%get3A_263, %get3A_264, %get3A_265] {strides = array<i32>} : memref<2x64x256xf32, #tpu.memory_space<vmem>>, vector<1x1x16xf32>,
      %get3A_267 = vector.shape_cast %get3A_266 : vector<1x1x16xf32> to vector<16xf32>
      %sub3A_268 = arith.subf %get3A_261, %get3A_267 : vector<16xf32>
      %abs3A_269 = math.absf %sub3A_268 : vector<16xf32>
      %add3A_270 = arith.addf %add3A_255, %abs3A_269 : vector<16xf32>
      %get3A_271 = arith.constant 1 : i32
      %get3A_272 = arith.index_cast %get3A_271 : i32 to index
      %get3A_273 = arith.index_cast %scan3A_242 : i32 to index
      %get3A_274 = arith.constant 32 : index
      %get3A_275 = tpu.vector_load %arg8[%get3A_272, %get3A_273, %get3A_274] {strides = array<i32>} : memref<2x64x256xf32, #tpu.memory_space<vmem>>, vector<1x1x16xf32>,
      %get3A_276 = vector.shape_cast %get3A_275 : vector<1x1x16xf32> to vector<16xf32>
      %get3A_277 = arith.constant 1 : i32
      %get3A_278 = arith.index_cast %get3A_277 : i32 to index
      %get3A_279 = arith.index_cast %scan3A_242 : i32 to index
      %get3A_280 = arith.constant 32 : index
      %get3A_281 = tpu.vector_load %arg7[%get3A_278, %get3A_279, %get3A_280] {strides = array<i32>} : memref<2x64x256xf32, #tpu.memory_space<vmem>>, vector<1x1x16xf32>,
      %get3A_282 = vector.shape_cast %get3A_281 : vector<1x1x16xf32> to vector<16xf32>
      %sub3A_283 = arith.subf %get3A_276, %get3A_282 : vector<16xf32>
      %abs3A_284 = math.absf %sub3A_283 : vector<16xf32>
      %add3A_285 = arith.addf %add3A_270, %abs3A_284 : vector<16xf32>
      %get3A_286 = arith.constant 1 : i32
      %get3A_287 = arith.index_cast %get3A_286 : i32 to index
      %get3A_288 = arith.index_cast %scan3A_242 : i32 to index
      %get3A_289 = arith.constant 48 : index
      %get3A_290 = tpu.vector_load %arg8[%get3A_287, %get3A_288, %get3A_289] {strides = array<i32>} : memref<2x64x256xf32, #tpu.memory_space<vmem>>, vector<1x1x16xf32>,
      %get3A_291 = vector.shape_cast %get3A_290 : vector<1x1x16xf32> to vector<16xf32>
      %get3A_292 = arith.constant 1 : i32
      %get3A_293 = arith.index_cast %get3A_292 : i32 to index
      %get3A_294 = arith.index_cast %scan3A_242 : i32 to index
      %get3A_295 = arith.constant 48 : index
      %get3A_296 = tpu.vector_load %arg7[%get3A_293, %get3A_294, %get3A_295] {strides = array<i32>} : memref<2x64x256xf32, #tpu.memory_space<vmem>>, vector<1x1x16xf32>,
      %get3A_297 = vector.shape_cast %get3A_296 : vector<1x1x16xf32> to vector<16xf32>
      %sub3A_298 = arith.subf %get3A_291, %get3A_297 : vector<16xf32>
      %abs3A_299 = math.absf %sub3A_298 : vector<16xf32>
      %add3A_300 = arith.addf %add3A_285, %abs3A_299 : vector<16xf32>
      %get3A_301 = arith.constant 1 : i32
      %get3A_302 = arith.index_cast %get3A_301 : i32 to index
      %get3A_303 = arith.index_cast %scan3A_242 : i32 to index
      %get3A_304 = arith.constant 64 : index
      %get3A_305 = tpu.vector_load %arg8[%get3A_302, %get3A_303, %get3A_304] {strides = array<i32>} : memref<2x64x256xf32, #tpu.memory_space<vmem>>, vector<1x1x16xf32>,
      %get3A_306 = vector.shape_cast %get3A_305 : vector<1x1x16xf32> to vector<16xf32>
      %get3A_307 = arith.constant 1 : i32
      %get3A_308 = arith.index_cast %get3A_307 : i32 to index
      %get3A_309 = arith.index_cast %scan3A_242 : i32 to index
      %get3A_310 = arith.constant 64 : index
      %get3A_311 = tpu.vector_load %arg7[%get3A_308, %get3A_309, %get3A_310] {strides = array<i32>} : memref<2x64x256xf32, #tpu.memory_space<vmem>>, vector<1x1x16xf32>,
      %get3A_312 = vector.shape_cast %get3A_311 : vector<1x1x16xf32> to vector<16xf32>
      %sub3A_313 = arith.subf %get3A_306, %get3A_312 : vector<16xf32>
      %abs3A_314 = math.absf %sub3A_313 : vector<16xf32>
      %add3A_315 = arith.addf %add3A_300, %abs3A_314 : vector<16xf32>
      %get3A_316 = arith.constant 1 : i32
      %get3A_317 = arith.index_cast %get3A_316 : i32 to index
      %get3A_318 = arith.index_cast %scan3A_242 : i32 to index
      %get3A_319 = arith.constant 80 : index
      %get3A_320 = tpu.vector_load %arg8[%get3A_317, %get3A_318, %get3A_319] {strides = array<i32>} : memref<2x64x256xf32, #tpu.memory_space<vmem>>, vector<1x1x16xf32>,
      %get3A_321 = vector.shape_cast %get3A_320 : vector<1x1x16xf32> to vector<16xf32>
      %get3A_322 = arith.constant 1 : i32
      %get3A_323 = arith.index_cast %get3A_322 : i32 to index
      %get3A_324 = arith.index_cast %scan3A_242 : i32 to index
      %get3A_325 = arith.constant 80 : index
      %get3A_326 = tpu.vector_load %arg7[%get3A_323, %get3A_324, %get3A_325] {strides = array<i32>} : memref<2x64x256xf32, #tpu.memory_space<vmem>>, vector<1x1x16xf32>,
      %get3A_327 = vector.shape_cast %get3A_326 : vector<1x1x16xf32> to vector<16xf32>
      %sub3A_328 = arith.subf %get3A_321, %get3A_327 : vector<16xf32>
      %abs3A_329 = math.absf %sub3A_328 : vector<16xf32>
      %add3A_330 = arith.addf %add3A_315, %abs3A_329 : vector<16xf32>
      %get3A_331 = arith.constant 1 : i32
      %get3A_332 = arith.index_cast %get3A_331 : i32 to index
      %get3A_333 = arith.index_cast %scan3A_242 : i32 to index
      %get3A_334 = arith.constant 96 : index
      %get3A_335 = tpu.vector_load %arg8[%get3A_332, %get3A_333, %get3A_334] {strides = array<i32>} : memref<2x64x256xf32, #tpu.memory_space<vmem>>, vector<1x1x16xf32>,
      %get3A_336 = vector.shape_cast %get3A_335 : vector<1x1x16xf32> to vector<16xf32>
      %get3A_337 = arith.constant 1 : i32
      %get3A_338 = arith.index_cast %get3A_337 : i32 to index
      %get3A_339 = arith.index_cast %scan3A_242 : i32 to index
      %get3A_340 = arith.constant 96 : index
      %get3A_341 = tpu.vector_load %arg7[%get3A_338, %get3A_339, %get3A_340] {strides = array<i32>} : memref<2x64x256xf32, #tpu.memory_space<vmem>>, vector<1x1x16xf32>,
      %get3A_342 = vector.shape_cast %get3A_341 : vector<1x1x16xf32> to vector<16xf32>
      %sub3A_343 = arith.subf %get3A_336, %get3A_342 : vector<16xf32>
      %abs3A_344 = math.absf %sub3A_343 : vector<16xf32>
      %add3A_345 = arith.addf %add3A_330, %abs3A_344 : vector<16xf32>
      %get3A_346 = arith.constant 1 : i32
      %get3A_347 = arith.index_cast %get3A_346 : i32 to index
      %get3A_348 = arith.index_cast %scan3A_242 : i32 to index
      %get3A_349 = arith.constant 112 : index
      %get3A_350 = tpu.vector_load %arg8[%get3A_347, %get3A_348, %get3A_349] {strides = array<i32>} : memref<2x64x256xf32, #tpu.memory_space<vmem>>, vector<1x1x16xf32>,
      %get3A_351 = vector.shape_cast %get3A_350 : vector<1x1x16xf32> to vector<16xf32>
      %get3A_352 = arith.constant 1 : i32
      %get3A_353 = arith.index_cast %get3A_352 : i32 to index
      %get3A_354 = arith.index_cast %scan3A_242 : i32 to index
      %get3A_355 = arith.constant 112 : index
      %get3A_356 = tpu.vector_load %arg7[%get3A_353, %get3A_354, %get3A_355] {strides = array<i32>} : memref<2x64x256xf32, #tpu.memory_space<vmem>>, vector<1x1x16xf32>,
      %get3A_357 = vector.shape_cast %get3A_356 : vector<1x1x16xf32> to vector<16xf32>
      %sub3A_358 = arith.subf %get3A_351, %get3A_357 : vector<16xf32>
      %abs3A_359 = math.absf %sub3A_358 : vector<16xf32>
      %add3A_360 = arith.addf %add3A_345, %abs3A_359 : vector<16xf32>
      %get3A_361 = arith.constant 1 : i32
      %get3A_362 = arith.index_cast %get3A_361 : i32 to index
      %get3A_363 = arith.index_cast %scan3A_242 : i32 to index
      %get3A_364 = arith.constant 128 : index
      %get3A_365 = tpu.vector_load %arg8[%get3A_362, %get3A_363, %get3A_364] {strides = array<i32>} : memref<2x64x256xf32, #tpu.memory_space<vmem>>, vector<1x1x16xf32>,
      %get3A_366 = vector.shape_cast %get3A_365 : vector<1x1x16xf32> to vector<16xf32>
      %get3A_367 = arith.constant 1 : i32
      %get3A_368 = arith.index_cast %get3A_367 : i32 to index
      %get3A_369 = arith.index_cast %scan3A_242 : i32 to index
      %get3A_370 = arith.constant 128 : index
      %get3A_371 = tpu.vector_load %arg7[%get3A_368, %get3A_369, %get3A_370] {strides = array<i32>} : memref<2x64x256xf32, #tpu.memory_space<vmem>>, vector<1x1x16xf32>,
      %get3A_372 = vector.shape_cast %get3A_371 : vector<1x1x16xf32> to vector<16xf32>
      %sub3A_373 = arith.subf %get3A_366, %get3A_372 : vector<16xf32>
      %abs3A_374 = math.absf %sub3A_373 : vector<16xf32>
      %add3A_375 = arith.addf %add3A_360, %abs3A_374 : vector<16xf32>
      %get3A_376 = arith.constant 1 : i32
      %get3A_377 = arith.index_cast %get3A_376 : i32 to index
      %get3A_378 = arith.index_cast %scan3A_242 : i32 to index
      %get3A_379 = arith.constant 144 : index
      %get3A_380 = tpu.vector_load %arg8[%get3A_377, %get3A_378, %get3A_379] {strides = array<i32>} : memref<2x64x256xf32, #tpu.memory_space<vmem>>, vector<1x1x16xf32>,
      %get3A_381 = vector.shape_cast %get3A_380 : vector<1x1x16xf32> to vector<16xf32>
      %get3A_382 = arith.constant 1 : i32
      %get3A_383 = arith.index_cast %get3A_382 : i32 to index
      %get3A_384 = arith.index_cast %scan3A_242 : i32 to index
      %get3A_385 = arith.constant 144 : index
      %get3A_386 = tpu.vector_load %arg7[%get3A_383, %get3A_384, %get3A_385] {strides = array<i32>} : memref<2x64x256xf32, #tpu.memory_space<vmem>>, vector<1x1x16xf32>,
      %get3A_387 = vector.shape_cast %get3A_386 : vector<1x1x16xf32> to vector<16xf32>
      %sub3A_388 = arith.subf %get3A_381, %get3A_387 : vector<16xf32>
      %abs3A_389 = math.absf %sub3A_388 : vector<16xf32>
      %add3A_390 = arith.addf %add3A_375, %abs3A_389 : vector<16xf32>
      %get3A_391 = arith.constant 1 : i32
      %get3A_392 = arith.index_cast %get3A_391 : i32 to index
      %get3A_393 = arith.index_cast %scan3A_242 : i32 to index
      %get3A_394 = arith.constant 160 : index
      %get3A_395 = tpu.vector_load %arg8[%get3A_392, %get3A_393, %get3A_394] {strides = array<i32>} : memref<2x64x256xf32, #tpu.memory_space<vmem>>, vector<1x1x16xf32>,
      %get3A_396 = vector.shape_cast %get3A_395 : vector<1x1x16xf32> to vector<16xf32>
      %get3A_397 = arith.constant 1 : i32
      %get3A_398 = arith.index_cast %get3A_397 : i32 to index
      %get3A_399 = arith.index_cast %scan3A_242 : i32 to index
      %get3A_400 = arith.constant 160 : index
      %get3A_401 = tpu.vector_load %arg7[%get3A_398, %get3A_399, %get3A_400] {strides = array<i32>} : memref<2x64x256xf32, #tpu.memory_space<vmem>>, vector<1x1x16xf32>,
      %get3A_402 = vector.shape_cast %get3A_401 : vector<1x1x16xf32> to vector<16xf32>
      %sub3A_403 = arith.subf %get3A_396, %get3A_402 : vector<16xf32>
      %abs3A_404 = math.absf %sub3A_403 : vector<16xf32>
      %add3A_405 = arith.addf %add3A_390, %abs3A_404 : vector<16xf32>
      %get3A_406 = arith.constant 1 : i32
      %get3A_407 = arith.index_cast %get3A_406 : i32 to index
      %get3A_408 = arith.index_cast %scan3A_242 : i32 to index
      %get3A_409 = arith.constant 176 : index
      %get3A_410 = tpu.vector_load %arg8[%get3A_407, %get3A_408, %get3A_409] {strides = array<i32>} : memref<2x64x256xf32, #tpu.memory_space<vmem>>, vector<1x1x16xf32>,
      %get3A_411 = vector.shape_cast %get3A_410 : vector<1x1x16xf32> to vector<16xf32>
      %get3A_412 = arith.constant 1 : i32
      %get3A_413 = arith.index_cast %get3A_412 : i32 to index
      %get3A_414 = arith.index_cast %scan3A_242 : i32 to index
      %get3A_415 = arith.constant 176 : index
      %get3A_416 = tpu.vector_load %arg7[%get3A_413, %get3A_414, %get3A_415] {strides = array<i32>} : memref<2x64x256xf32, #tpu.memory_space<vmem>>, vector<1x1x16xf32>,
      %get3A_417 = vector.shape_cast %get3A_416 : vector<1x1x16xf32> to vector<16xf32>
      %sub3A_418 = arith.subf %get3A_411, %get3A_417 : vector<16xf32>
      %abs3A_419 = math.absf %sub3A_418 : vector<16xf32>
      %add3A_420 = arith.addf %add3A_405, %abs3A_419 : vector<16xf32>
      %get3A_421 = arith.constant 1 : i32
      %get3A_422 = arith.index_cast %get3A_421 : i32 to index
      %get3A_423 = arith.index_cast %scan3A_242 : i32 to index
      %get3A_424 = arith.constant 192 : index
      %get3A_425 = tpu.vector_load %arg8[%get3A_422, %get3A_423, %get3A_424] {strides = array<i32>} : memref<2x64x256xf32, #tpu.memory_space<vmem>>, vector<1x1x16xf32>,
      %get3A_426 = vector.shape_cast %get3A_425 : vector<1x1x16xf32> to vector<16xf32>
      %get3A_427 = arith.constant 1 : i32
      %get3A_428 = arith.index_cast %get3A_427 : i32 to index
      %get3A_429 = arith.index_cast %scan3A_242 : i32 to index
      %get3A_430 = arith.constant 192 : index
      %get3A_431 = tpu.vector_load %arg7[%get3A_428, %get3A_429, %get3A_430] {strides = array<i32>} : memref<2x64x256xf32, #tpu.memory_space<vmem>>, vector<1x1x16xf32>,
      %get3A_432 = vector.shape_cast %get3A_431 : vector<1x1x16xf32> to vector<16xf32>
      %sub3A_433 = arith.subf %get3A_426, %get3A_432 : vector<16xf32>
      %abs3A_434 = math.absf %sub3A_433 : vector<16xf32>
      %add3A_435 = arith.addf %add3A_420, %abs3A_434 : vector<16xf32>
      %get3A_436 = arith.constant 1 : i32
      %get3A_437 = arith.index_cast %get3A_436 : i32 to index
      %get3A_438 = arith.index_cast %scan3A_242 : i32 to index
      %get3A_439 = arith.constant 208 : index
      %get3A_440 = tpu.vector_load %arg8[%get3A_437, %get3A_438, %get3A_439] {strides = array<i32>} : memref<2x64x256xf32, #tpu.memory_space<vmem>>, vector<1x1x16xf32>,
      %get3A_441 = vector.shape_cast %get3A_440 : vector<1x1x16xf32> to vector<16xf32>
      %get3A_442 = arith.constant 1 : i32
      %get3A_443 = arith.index_cast %get3A_442 : i32 to index
      %get3A_444 = arith.index_cast %scan3A_242 : i32 to index
      %get3A_445 = arith.constant 208 : index
      %get3A_446 = tpu.vector_load %arg7[%get3A_443, %get3A_444, %get3A_445] {strides = array<i32>} : memref<2x64x256xf32, #tpu.memory_space<vmem>>, vector<1x1x16xf32>,
      %get3A_447 = vector.shape_cast %get3A_446 : vector<1x1x16xf32> to vector<16xf32>
      %sub3A_448 = arith.subf %get3A_441, %get3A_447 : vector<16xf32>
      %abs3A_449 = math.absf %sub3A_448 : vector<16xf32>
      %add3A_450 = arith.addf %add3A_435, %abs3A_449 : vector<16xf32>
      %get3A_451 = arith.constant 1 : i32
      %get3A_452 = arith.index_cast %get3A_451 : i32 to index
      %get3A_453 = arith.index_cast %scan3A_242 : i32 to index
      %get3A_454 = arith.constant 224 : index
      %get3A_455 = tpu.vector_load %arg8[%get3A_452, %get3A_453, %get3A_454] {strides = array<i32>} : memref<2x64x256xf32, #tpu.memory_space<vmem>>, vector<1x1x16xf32>,
      %get3A_456 = vector.shape_cast %get3A_455 : vector<1x1x16xf32> to vector<16xf32>
      %get3A_457 = arith.constant 1 : i32
      %get3A_458 = arith.index_cast %get3A_457 : i32 to index
      %get3A_459 = arith.index_cast %scan3A_242 : i32 to index
      %get3A_460 = arith.constant 224 : index
      %get3A_461 = tpu.vector_load %arg7[%get3A_458, %get3A_459, %get3A_460] {strides = array<i32>} : memref<2x64x256xf32, #tpu.memory_space<vmem>>, vector<1x1x16xf32>,
      %get3A_462 = vector.shape_cast %get3A_461 : vector<1x1x16xf32> to vector<16xf32>
      %sub3A_463 = arith.subf %get3A_456, %get3A_462 : vector<16xf32>
      %abs3A_464 = math.absf %sub3A_463 : vector<16xf32>
      %add3A_465 = arith.addf %add3A_450, %abs3A_464 : vector<16xf32>
      %get3A_466 = arith.constant 1 : i32
      %get3A_467 = arith.index_cast %get3A_466 : i32 to index
      %get3A_468 = arith.index_cast %scan3A_242 : i32 to index
      %get3A_469 = arith.constant 240 : index
      %get3A_470 = tpu.vector_load %arg8[%get3A_467, %get3A_468, %get3A_469] {strides = array<i32>} : memref<2x64x256xf32, #tpu.memory_space<vmem>>, vector<1x1x16xf32>,
      %get3A_471 = vector.shape_cast %get3A_470 : vector<1x1x16xf32> to vector<16xf32>
      %get3A_472 = arith.constant 1 : i32
      %get3A_473 = arith.index_cast %get3A_472 : i32 to index
      %get3A_474 = arith.index_cast %scan3A_242 : i32 to index
      %get3A_475 = arith.constant 240 : index
      %get3A_476 = tpu.vector_load %arg7[%get3A_473, %get3A_474, %get3A_475] {strides = array<i32>} : memref<2x64x256xf32, #tpu.memory_space<vmem>>, vector<1x1x16xf32>,
      %get3A_477 = vector.shape_cast %get3A_476 : vector<1x1x16xf32> to vector<16xf32>
      %sub3A_478 = arith.subf %get3A_471, %get3A_477 : vector<16xf32>
      %abs3A_479 = math.absf %sub3A_478 : vector<16xf32>
      %add3A_480 = arith.addf %add3A_465, %abs3A_479 : vector<16xf32>
      scf.yield %add3A_480 : vector<16xf32>
    }
    %scan3A_238 = arith.constant 64 : i32
    %swap3A = arith.constant 0 : index
    %swap3A_239 = tpu.vector_load %arg9[%swap3A] {strides = array<i32>} : memref<16xf32, #tpu.memory_space<vmem>>, vector<16xf32>,
    %swap3A_240 = vector.shape_cast %swap3A_239 : vector<16xf32> to vector<16xf32>
    %swap3A_241 = vector.shape_cast %scan3A_237 : vector<16xf32> to vector<16xf32>
    tpu.vector_store %arg9[%swap3A], %swap3A_241 {strides = array<i32>} : memref<16xf32, #tpu.memory_space<vmem>>, vector<16xf32>,
    "tpu.region"() ({
      %run_scoped3A = tpu.sem_alloc : memref<!tpu.dma_semaphore, #tpu.memory_space<semaphore_mem>>
      %dma_start3A_242 = arith.constant 0 : i32
      %dma_start3A_243 = tpu.memref_slice %arg5[%add3A, %dma_start3A_242] : memref<32x16xf32, #tpu.memory_space<hbm>> -> memref<1x16xf32, #tpu.memory_space<hbm>>
      %dma_start3A_244 = tpu.memref_squeeze %dma_start3A_243 : memref<1x16xf32, #tpu.memory_space<hbm>> -> memref<16xf32, #tpu.memory_space<hbm>>
      %dma_start3A_245 = arith.constant 0 : i32
      %dma_start3A_246 = tpu.memref_slice %arg5[%add3A, %dma_start3A_245] : memref<32x16xf32, #tpu.memory_space<hbm>> -> memref<1x16xf32, #tpu.memory_space<hbm>>
      %dma_start3A_247 = tpu.memref_squeeze %dma_start3A_246 : memref<1x16xf32, #tpu.memory_space<hbm>> -> memref<16xf32, #tpu.memory_space<hbm>>
      tpu.enqueue_dma source(%arg9 : memref<16xf32, #tpu.memory_space<vmem>>) target(%dma_start3A_247 : memref<16xf32, #tpu.memory_space<hbm>>) target_semaphore(%run_scoped3A : memref<!tpu.dma_semaphore, #tpu.memory_space<semaphore_mem>>)
      %dma_wait3A_248 = arith.constant 0 : i32
      %dma_wait3A_249 = tpu.memref_slice %arg5[%add3A, %dma_wait3A_248] : memref<32x16xf32, #tpu.memory_space<hbm>> -> memref<1x16xf32, #tpu.memory_space<hbm>>
      %dma_wait3A_250 = tpu.memref_squeeze %dma_wait3A_249 : memref<1x16xf32, #tpu.memory_space<hbm>> -> memref<16xf32, #tpu.memory_space<hbm>>
      %dma_wait3A_251 = arith.constant 0 : i32
      %dma_wait3A_252 = tpu.memref_slice %arg5[%add3A, %dma_wait3A_251] : memref<32x16xf32, #tpu.memory_space<hbm>> -> memref<1x16xf32, #tpu.memory_space<hbm>>
      %dma_wait3A_253 = tpu.memref_squeeze %dma_wait3A_252 : memref<1x16xf32, #tpu.memory_space<hbm>> -> memref<16xf32, #tpu.memory_space<hbm>>
      tpu.wait_dma2 semaphore(%run_scoped3A : memref<!tpu.dma_semaphore, #tpu.memory_space<semaphore_mem>>) src(%arg9 : memref<16xf32, #tpu.memory_space<vmem>>) dst(%dma_wait3A_253 : memref<16xf32, #tpu.memory_space<hbm>>)
      tpu.yield
    }) : () -> ()
    return
  }
}

module attributes {stable_mosaic.version = 14 : i64} {
  func.func @_argmax_body(%arg0: i32, %arg1: memref<256x256xf32, #tpu.memory_space<vmem>>, %arg2: memref<8192x256xf32, #tpu.memory_space<vmem>>, %arg3: memref<1x4x64xi32, #tpu.memory_space<vmem>>, %arg4: memref<8192x256xbf16, #tpu.memory_space<vmem>>) attributes {dimension_semantics = [#tpu.dimension_semantics<arbitrary>], iteration_bounds = array<i64: 32>, scalar_prefetch = 0 : i64, scratch_operands = 1 : i64, tpu.core_type = #tpu.core_type<tc>, window_params = [{transform_indices = @transform_0, window_bounds = array<i64: 256, 256>}, {pipeline_mode = #tpu.pipeline_mode<synchronous>, transform_indices = @transform_1, window_bounds = array<i64: 8192, 256>}, {transform_indices = @transform_2, window_bounds = array<i64: 1, 4, 64>}]} {
    %eq3A = arith.constant 0 : i32
    %eq3A_0 = arith.cmpi eq, %arg0, %eq3A : i32
    %convert_element_type3A = arith.extui %eq3A_0 : i1 to i32
    %cond3A = arith.constant 0 : i32
    %cond3A_1 = arith.cmpi ne, %convert_element_type3A, %cond3A : i32
    scf.if %cond3A_1 {
      %get3A_100 = arith.constant 0 : index
      %get3A_101 = arith.constant 0 : index
      %get3A_102 = vector.load %arg2[%get3A_100, %get3A_101] : memref<8192x256xf32, #tpu.memory_space<vmem>>, vector<8192x256xf32>
      %convert_element_type3A_103 = arith.truncf %get3A_102 : vector<8192x256xf32> to vector<8192x256xbf16>
      %swap3A_104 = arith.constant 0 : index
      %swap3A_105 = arith.constant 0 : index
      %swap3A_106 = vector.load %arg4[%swap3A_104, %swap3A_105] : memref<8192x256xbf16, #tpu.memory_space<vmem>>, vector<8192x256xbf16>
      tpu.vector_store %arg4[%swap3A_104, %swap3A_105], %convert_element_type3A_103 {strides = array<i32>} : memref<8192x256xbf16, #tpu.memory_space<vmem>>, vector<8192x256xbf16>,
    } else {
    }
    %get3A = arith.constant 0 : index
    %get3A_2 = arith.constant 0 : index
    %get3A_3 = vector.load %arg1[%get3A, %get3A_2] : memref<256x256xf32, #tpu.memory_space<vmem>>, vector<256x256xf32>
    %convert_element_type3A_4 = arith.truncf %get3A_3 : vector<256x256xf32> to vector<256x256xbf16>
    %get3A_5 = arith.constant 0 : index
    %get3A_6 = arith.constant 0 : index
    %get3A_7 = vector.load %arg4[%get3A_5, %get3A_6] : memref<8192x256xbf16, #tpu.memory_space<vmem>>, vector<1024x256xbf16>
    %dot_general3A = arith.constant dense<0.000000e+00> : vector<256x1024xf32>
    %dot_general3A_8 = tpu.matmul %convert_element_type3A_4, %get3A_7, %dot_general3A {dimension_numbers = #tpu.dot_dimension_numbers<[1], [1], [0], [0], [0, 0, 1, 0], [], []>, transpose_lhs_hint = false} : vector<256x256xbf16>, vector<1024x256xbf16>, vector<256x1024xf32> -> vector<256x1024xf32>
    %convert_element_type3A_9 = arith.truncf %dot_general3A_8 : vector<256x1024xf32> to vector<256x1024xbf16>
    %broadcast_in_dim3A = arith.constant 0.000000e+00 : bf16
    %broadcast_in_dim3A_10 = vector.broadcast %broadcast_in_dim3A : bf16 to vector<256x1024xbf16>
    %get3A_11 = arith.constant 1024 : index
    %get3A_12 = arith.constant 0 : index
    %get3A_13 = vector.load %arg4[%get3A_11, %get3A_12] : memref<8192x256xbf16, #tpu.memory_space<vmem>>, vector<1024x256xbf16>
    %dot_general3A_14 = arith.constant dense<0.000000e+00> : vector<256x1024xf32>
    %dot_general3A_15 = tpu.matmul %convert_element_type3A_4, %get3A_13, %dot_general3A_14 {dimension_numbers = #tpu.dot_dimension_numbers<[1], [1], [0], [0], [0, 0, 1, 0], [], []>, transpose_lhs_hint = false} : vector<256x256xbf16>, vector<1024x256xbf16>, vector<256x1024xf32> -> vector<256x1024xf32>
    %convert_element_type3A_16 = arith.truncf %dot_general3A_15 : vector<256x1024xf32> to vector<256x1024xbf16>
    %gt3A = arith.cmpf ogt, %convert_element_type3A_16, %convert_element_type3A_9 : vector<256x1024xbf16>
    %select_n3A = arith.select %gt3A, %convert_element_type3A_16, %convert_element_type3A_9 : vector<256x1024xi1>, vector<256x1024xbf16>
    %jit3A = arith.constant 1.000000e+00 : bf16
    %broadcast_in_dim3A_17 = vector.broadcast %jit3A : bf16 to vector<256x1024xbf16>
    %select_n3A_18 = arith.select %gt3A, %broadcast_in_dim3A_17, %broadcast_in_dim3A_10 : vector<256x1024xi1>, vector<256x1024xbf16>
    %get3A_19 = arith.constant 2048 : index
    %get3A_20 = arith.constant 0 : index
    %get3A_21 = vector.load %arg4[%get3A_19, %get3A_20] : memref<8192x256xbf16, #tpu.memory_space<vmem>>, vector<1024x256xbf16>
    %dot_general3A_22 = arith.constant dense<0.000000e+00> : vector<256x1024xf32>
    %dot_general3A_23 = tpu.matmul %convert_element_type3A_4, %get3A_21, %dot_general3A_22 {dimension_numbers = #tpu.dot_dimension_numbers<[1], [1], [0], [0], [0, 0, 1, 0], [], []>, transpose_lhs_hint = false} : vector<256x256xbf16>, vector<1024x256xbf16>, vector<256x1024xf32> -> vector<256x1024xf32>
    %convert_element_type3A_24 = arith.truncf %dot_general3A_23 : vector<256x1024xf32> to vector<256x1024xbf16>
    %gt3A_25 = arith.cmpf ogt, %convert_element_type3A_24, %select_n3A : vector<256x1024xbf16>
    %select_n3A_26 = arith.select %gt3A_25, %convert_element_type3A_24, %select_n3A : vector<256x1024xi1>, vector<256x1024xbf16>
    %jit3A_27 = arith.constant 2.000000e+00 : bf16
    %broadcast_in_dim3A_28 = vector.broadcast %jit3A_27 : bf16 to vector<256x1024xbf16>
    %select_n3A_29 = arith.select %gt3A_25, %broadcast_in_dim3A_28, %select_n3A_18 : vector<256x1024xi1>, vector<256x1024xbf16>
    %get3A_30 = arith.constant 3072 : index
    %get3A_31 = arith.constant 0 : index
    %get3A_32 = vector.load %arg4[%get3A_30, %get3A_31] : memref<8192x256xbf16, #tpu.memory_space<vmem>>, vector<1024x256xbf16>
    %dot_general3A_33 = arith.constant dense<0.000000e+00> : vector<256x1024xf32>
    %dot_general3A_34 = tpu.matmul %convert_element_type3A_4, %get3A_32, %dot_general3A_33 {dimension_numbers = #tpu.dot_dimension_numbers<[1], [1], [0], [0], [0, 0, 1, 0], [], []>, transpose_lhs_hint = false} : vector<256x256xbf16>, vector<1024x256xbf16>, vector<256x1024xf32> -> vector<256x1024xf32>
    %convert_element_type3A_35 = arith.truncf %dot_general3A_34 : vector<256x1024xf32> to vector<256x1024xbf16>
    %gt3A_36 = arith.cmpf ogt, %convert_element_type3A_35, %select_n3A_26 : vector<256x1024xbf16>
    %select_n3A_37 = arith.select %gt3A_36, %convert_element_type3A_35, %select_n3A_26 : vector<256x1024xi1>, vector<256x1024xbf16>
    %jit3A_38 = arith.constant 3.000000e+00 : bf16
    %broadcast_in_dim3A_39 = vector.broadcast %jit3A_38 : bf16 to vector<256x1024xbf16>
    %select_n3A_40 = arith.select %gt3A_36, %broadcast_in_dim3A_39, %select_n3A_29 : vector<256x1024xi1>, vector<256x1024xbf16>
    %get3A_41 = arith.constant 4096 : index
    %get3A_42 = arith.constant 0 : index
    %get3A_43 = vector.load %arg4[%get3A_41, %get3A_42] : memref<8192x256xbf16, #tpu.memory_space<vmem>>, vector<1024x256xbf16>
    %dot_general3A_44 = arith.constant dense<0.000000e+00> : vector<256x1024xf32>
    %dot_general3A_45 = tpu.matmul %convert_element_type3A_4, %get3A_43, %dot_general3A_44 {dimension_numbers = #tpu.dot_dimension_numbers<[1], [1], [0], [0], [0, 0, 1, 0], [], []>, transpose_lhs_hint = false} : vector<256x256xbf16>, vector<1024x256xbf16>, vector<256x1024xf32> -> vector<256x1024xf32>
    %convert_element_type3A_46 = arith.truncf %dot_general3A_45 : vector<256x1024xf32> to vector<256x1024xbf16>
    %gt3A_47 = arith.cmpf ogt, %convert_element_type3A_46, %select_n3A_37 : vector<256x1024xbf16>
    %select_n3A_48 = arith.select %gt3A_47, %convert_element_type3A_46, %select_n3A_37 : vector<256x1024xi1>, vector<256x1024xbf16>
    %jit3A_49 = arith.constant 4.000000e+00 : bf16
    %broadcast_in_dim3A_50 = vector.broadcast %jit3A_49 : bf16 to vector<256x1024xbf16>
    %select_n3A_51 = arith.select %gt3A_47, %broadcast_in_dim3A_50, %select_n3A_40 : vector<256x1024xi1>, vector<256x1024xbf16>
    %get3A_52 = arith.constant 5120 : index
    %get3A_53 = arith.constant 0 : index
    %get3A_54 = vector.load %arg4[%get3A_52, %get3A_53] : memref<8192x256xbf16, #tpu.memory_space<vmem>>, vector<1024x256xbf16>
    %dot_general3A_55 = arith.constant dense<0.000000e+00> : vector<256x1024xf32>
    %dot_general3A_56 = tpu.matmul %convert_element_type3A_4, %get3A_54, %dot_general3A_55 {dimension_numbers = #tpu.dot_dimension_numbers<[1], [1], [0], [0], [0, 0, 1, 0], [], []>, transpose_lhs_hint = false} : vector<256x256xbf16>, vector<1024x256xbf16>, vector<256x1024xf32> -> vector<256x1024xf32>
    %convert_element_type3A_57 = arith.truncf %dot_general3A_56 : vector<256x1024xf32> to vector<256x1024xbf16>
    %gt3A_58 = arith.cmpf ogt, %convert_element_type3A_57, %select_n3A_48 : vector<256x1024xbf16>
    %select_n3A_59 = arith.select %gt3A_58, %convert_element_type3A_57, %select_n3A_48 : vector<256x1024xi1>, vector<256x1024xbf16>
    %jit3A_60 = arith.constant 5.000000e+00 : bf16
    %broadcast_in_dim3A_61 = vector.broadcast %jit3A_60 : bf16 to vector<256x1024xbf16>
    %select_n3A_62 = arith.select %gt3A_58, %broadcast_in_dim3A_61, %select_n3A_51 : vector<256x1024xi1>, vector<256x1024xbf16>
    %get3A_63 = arith.constant 6144 : index
    %get3A_64 = arith.constant 0 : index
    %get3A_65 = vector.load %arg4[%get3A_63, %get3A_64] : memref<8192x256xbf16, #tpu.memory_space<vmem>>, vector<1024x256xbf16>
    %dot_general3A_66 = arith.constant dense<0.000000e+00> : vector<256x1024xf32>
    %dot_general3A_67 = tpu.matmul %convert_element_type3A_4, %get3A_65, %dot_general3A_66 {dimension_numbers = #tpu.dot_dimension_numbers<[1], [1], [0], [0], [0, 0, 1, 0], [], []>, transpose_lhs_hint = false} : vector<256x256xbf16>, vector<1024x256xbf16>, vector<256x1024xf32> -> vector<256x1024xf32>
    %convert_element_type3A_68 = arith.truncf %dot_general3A_67 : vector<256x1024xf32> to vector<256x1024xbf16>
    %gt3A_69 = arith.cmpf ogt, %convert_element_type3A_68, %select_n3A_59 : vector<256x1024xbf16>
    %select_n3A_70 = arith.select %gt3A_69, %convert_element_type3A_68, %select_n3A_59 : vector<256x1024xi1>, vector<256x1024xbf16>
    %jit3A_71 = arith.constant 6.000000e+00 : bf16
    %broadcast_in_dim3A_72 = vector.broadcast %jit3A_71 : bf16 to vector<256x1024xbf16>
    %select_n3A_73 = arith.select %gt3A_69, %broadcast_in_dim3A_72, %select_n3A_62 : vector<256x1024xi1>, vector<256x1024xbf16>
    %get3A_74 = arith.constant 7168 : index
    %get3A_75 = arith.constant 0 : index
    %get3A_76 = vector.load %arg4[%get3A_74, %get3A_75] : memref<8192x256xbf16, #tpu.memory_space<vmem>>, vector<1024x256xbf16>
    %dot_general3A_77 = arith.constant dense<0.000000e+00> : vector<256x1024xf32>
    %dot_general3A_78 = tpu.matmul %convert_element_type3A_4, %get3A_76, %dot_general3A_77 {dimension_numbers = #tpu.dot_dimension_numbers<[1], [1], [0], [0], [0, 0, 1, 0], [], []>, transpose_lhs_hint = false} : vector<256x256xbf16>, vector<1024x256xbf16>, vector<256x1024xf32> -> vector<256x1024xf32>
    %convert_element_type3A_79 = arith.truncf %dot_general3A_78 : vector<256x1024xf32> to vector<256x1024xbf16>
    %gt3A_80 = arith.cmpf ogt, %convert_element_type3A_79, %select_n3A_70 : vector<256x1024xbf16>
    %select_n3A_81 = arith.select %gt3A_80, %convert_element_type3A_79, %select_n3A_70 : vector<256x1024xi1>, vector<256x1024xbf16>
    %jit3A_82 = arith.constant 7.000000e+00 : bf16
    %broadcast_in_dim3A_83 = vector.broadcast %jit3A_82 : bf16 to vector<256x1024xbf16>
    %select_n3A_84 = arith.select %gt3A_80, %broadcast_in_dim3A_83, %select_n3A_73 : vector<256x1024xi1>, vector<256x1024xbf16>
    %reduce_max3A = arith.constant dense<0xFF80> : vector<256xbf16>
    %reduce_max3A_85 = vector.multi_reduction <maximumf>, %select_n3A_81, %reduce_max3A [1] : vector<256x1024xbf16> to vector<256xbf16>
    %broadcast_in_dim3A_86 = vector.shape_cast %reduce_max3A_85 : vector<256xbf16> to vector<256x1xbf16>
    %eq3A_87 = vector.broadcast %broadcast_in_dim3A_86 : vector<256x1xbf16> to vector<256x1024xbf16>
    %eq3A_88 = arith.cmpf oeq, %select_n3A_81, %eq3A_87 : vector<256x1024xbf16>
    %iota3A = tpu.iota {dimensions = array<i32: 1>} : vector<256x1024xi32>
    %convert_element_type3A_89 = arith.fptosi %select_n3A_84 : vector<256x1024xbf16> to vector<256x1024xi32>
    %mul3A = arith.constant 1024 : i32
    %mul3A_90 = vector.broadcast %mul3A : i32 to vector<256x1024xi32>
    %mul3A_91 = arith.muli %convert_element_type3A_89, %mul3A_90 : vector<256x1024xi32>
    %add3A = arith.addi %mul3A_91, %iota3A : vector<256x1024xi32>
    %jit3A_92 = arith.constant 8192 : i32
    %broadcast_in_dim3A_93 = vector.broadcast %jit3A_92 : i32 to vector<256x1024xi32>
    %select_n3A_94 = arith.select %eq3A_88, %add3A, %broadcast_in_dim3A_93 : vector<256x1024xi1>, vector<256x1024xi32>
    %reduce_min3A = arith.constant dense<2147483647> : vector<256xi32>
    %reduce_min3A_95 = vector.multi_reduction <minsi>, %select_n3A_94, %reduce_min3A [1] : vector<256x1024xi32> to vector<256xi32>
    %broadcast_in_dim3A_96 = vector.shape_cast %reduce_min3A_95 : vector<256xi32> to vector<256x1xi32>
    %reshape3A = vector.shape_cast %broadcast_in_dim3A_96 : vector<256x1xi32> to vector<1x4x64xi32>
    %swap3A = arith.constant 0 : index
    %swap3A_97 = arith.constant 0 : index
    %swap3A_98 = arith.constant 0 : index
    %swap3A_99 = vector.load %arg3[%swap3A, %swap3A_97, %swap3A_98] : memref<1x4x64xi32, #tpu.memory_space<vmem>>, vector<1x4x64xi32>
    tpu.vector_store %arg3[%swap3A, %swap3A_97, %swap3A_98], %reshape3A {strides = array<i32>} : memref<1x4x64xi32, #tpu.memory_space<vmem>>, vector<1x4x64xi32>,
    return
  }
  func.func @transform_0(%arg0: i32) -> (i32, i32) {
    %c0_i32 = arith.constant 0 : i32
    %c0_i32_0 = arith.constant 0 : i32
    return %arg0, %c0_i32 : i32, i32
  }
  func.func @transform_1(%arg0: i32) -> (i32, i32) {
    %c0_i32 = arith.constant 0 : i32
    %c0_i32_0 = arith.constant 0 : i32
    %c0_i32_1 = arith.constant 0 : i32
    return %c0_i32, %c0_i32_0 : i32, i32
  }
  func.func @transform_2(%arg0: i32) -> (i32, i32, i32) {
    %c0_i32 = arith.constant 0 : i32
    %c0_i32_0 = arith.constant 0 : i32
    %c0_i32_1 = arith.constant 0 : i32
    return %arg0, %c0_i32, %c0_i32_0 : i32, i32, i32
  }
}

</mosaic_0001>

<sc_bundles>
// kernel: kernel.4.cloned.1.call-start
scs
__scs_entry_jumppad:
0x0: {  	(pc) =	sbr.rel $0x88, $3  }
0x1: {  	(tag) =	ssettag $0x0;
	lr =	simm.s32 $0x1  }
0x2: {  	[smem:$0x3F9F] =	sst lr;
	_ =	strace $0xD0000000  }
0x3: {  	_ = 	snop  }
0x4: {  	_ = 	snop  }
0x5: {  	_ = 	snop  }
0x6: {  	_ = 	snop  }
0x7: {  	_ = 	snop  }
__scs_overlays_trampoline_lowered:
0x8: {  	[smem:$0x3FAE] =	sst s0  }
0x9: {  	[smem:$0x3FAF] =	sst s1  }
0xa: {  	[smem:$0x3FB0] =	sst s2  }
0xb: {  	[smem:$0x3FB1] =	sst s3  }
0xc: {  	[smem:$0x3FB2] =	sst s4  }
0xd: {  	[smem:$0x3FB3] =	sst s5  }
0xe: {  	[smem:$0x3FB4] =	sst s6  }
0xf: {  	[smem:$0x3FB5] =	sst s7  }
0x10: {  	[smem:$0x3FB6] =	sst s8  }
0x11: {  	[smem:$0x3FB7] =	sst s9;
	s0 =	simm.s32 @!p0 $0x0  }
0x12: {  	s1 =	sld [smem:$0x3F9D];
	s0 =	simm.s32 @p0 $0x1  }
0x13: {  	[smem:$0x3FB8] =	sst s0;
	s0 =	simm.s32 @!p1 $0x0  }
0x14: {  	s2 =	sld [smem:$0x3F9C];
	s0 =	simm.s32 @p1 $0x1  }
0x15: {  	[smem:$0x3FB9] =	sst s0;
	s0 =	simm.s32 @!p2 $0x0  }
0x16: {  	s3 =	sld [smem:$0x3FDB];
	s0 =	simm.s32 @p2 $0x1  }
0x17: {  	s4 =	simm.s32 $0x1BF5;
	[smem:$0x3FBB] =	sst s0  }
0x18: {  	s0 =	sld [smem:$0x3F9E];
	_ =	swait.ge [sflag:s4], $0x0  }
0x19: {  	s7 =	sld [smem:$0x3F9F]  }
0x1a: {  	s8 =	sadd.s32 $0xFFFFE003, lr  }
0x1b: {  	s9 =	sadd.s32 $0xFFFFFEF7, lr;
	s5 =	simm.s32 $0xFFFFFFFF;
	p2 =	slt.u32 s8, $0xFFFFF086  }
0x1c: {  	p1 =	slt.u32 s9, $0xF7A;
	s5 =	simm.s32 @!p2 $0x0  }
0x1d: {  	s5 =	simm.s32 @p1 $0x1;
	p0 =	seq.s32 s7, s2  }
0x1e: {  	s7 =	smul.u32 @!p0 $0xF7A, s2;
	p2 =	seq.s32 @!p0 s5, $0x0  }
0x1f: {  	s9 =	smul.u32 $0xF7A, s1;
	s8 =	simm.s32 @!p0 $0x1BF5;
	p2 =	por !p2, p0  }
0x20: {  	[sflag:s8] =	ssyncset.s32 @!p0 $0xFFFFF086;
	s6 =	sadd.s32 @!p0 s3, s7;
	s7 =	simm.s32 @!p0 $0x108  }
0x21: {  	s3 =	sadd.s32 s3, s9;
	s6 =	sadd.s32 @!p0 $0x88, s6;
	s7 =	simm.s32 @p2 $0x1082  }
0x22: {  	[simem:s7], [sflag:s8] =	dma.local @!p0 [hbm:s6], $0xF7A  }
0x23: {  	s9 =	sor.u32 $0xD0000000, s2;
	s6 =	simm.s32 $0x108;
	_ =	swait.ge @!p0 [sflag:s8], $0x0  }
0x24: {  	s3 =	sadd.s32 $0x88, s3;
	s6 =	simm.s32 @!p1 $0x1082;
	[sflag:s4] =	ssyncset.s32 $0xFFFFF086  }
0x25: {  	[simem:s6], [sflag:s4] =	dma.local [hbm:s3], $0xF7A  }
0x26: {  	[smem:$0x3F9F] =	sst s1;
	(tag) =	ssettag s2;
	_ =	strace s9  }
0x27: {  	s1 =	sld [smem:$0x3FAF]  }
0x28: {  	s2 =	sld [smem:$0x3FB0]  }
0x29: {  	s4 =	sld [smem:$0x3FB2]  }
0x2a: {  	p0 =	seq.s32 s5, $0x0;
	s5 =	sld [smem:$0x3FB3]  }
0x2b: {  	s6 =	sld [smem:$0x3FB4]  }
0x2c: {  	s7 =	sld [smem:$0x3FB5]  }
0x2d: {  	s3 =	simm.s32 $0x108;
	s8 =	sld [smem:$0x3FB6]  }
0x2e: {  	s3 =	simm.s32 @!p0 $0x1082;
	s9 =	sld [smem:$0x3FB7]  }
0x2f: {  	lr =	sadd.s32 s0, s3;
	s0 =	sld [smem:$0x3FAE]  }
0x30: {  	s3 =	sld [smem:$0x3FB1]  }
0x31: {  	[smem:$0x3FBA] =	sst s10  }
0x32: {  	s10 =	sld [smem:$0x3FB8];
	_ =	sdelay $0x3  }
0x33: {  	p0 =	seq.s32 s10, $0x1;
	s10 =	sld [smem:$0x3FBA];
	_ =	sdelay $0x3  }
0x34: {  	[smem:$0x3FBA] =	sst s10  }
0x35: {  	s10 =	sld [smem:$0x3FB9];
	_ =	sdelay $0x3  }
0x36: {  	p1 =	seq.s32 s10, $0x1;
	s10 =	sld [smem:$0x3FBA];
	_ =	sdelay $0x3  }
0x37: {  	[smem:$0x3FBA] =	sst s10  }
0x38: {  	s10 =	sld [smem:$0x3FBB]  }
0x39: {  	_ = 	snop;
	(pc) =	sbr.ind lr, $3  }
0x3a: {  	_ = 	snop  }
0x3b: {  	_ = 	snop  }
0x3c: {  	p2 =	seq.s32 s10, $0x1;
	s10 =	sld [smem:$0x3FBA]  }
0x3d: {  	_ =	shalt  }
0x3e: {  	_ =	shalt  }
0x3f: {  	_ =	shalt  }
0x40: {  	_ =	shalt  }
0x41: {  	_ =	shalt  }
0x42: {  	_ =	shalt  }
0x43: {  	_ =	shalt  }
0x44: {  	_ =	shalt  }
0x45: {  	_ =	shalt  }
0x46: {  	_ =	shalt  }
0x47: {  	_ =	shalt  }
0x48: {  	_ =	shalt  }
0x49: {  	_ =	shalt  }
0x4a: {  	_ =	shalt  }
0x4b: {  	_ =	shalt  }
0x4c: {  	_ =	shalt  }
0x4d: {  	_ =	shalt  }
0x4e: {  	_ =	shalt  }
0x4f: {  	_ =	shalt  }
0x50: {  	_ =	shalt  }
0x51: {  	_ =	shalt  }
0x52: {  	_ =	shalt  }
0x53: {  	_ =	shalt  }
0x54: {  	_ =	shalt  }
0x55: {  	_ =	shalt  }
0x56: {  	_ =	shalt  }
0x57: {  	_ =	shalt  }
0x58: {  	_ =	shalt  }
0x59: {  	_ =	shalt  }
0x5a: {  	_ =	shalt  }
0x5b: {  	_ =	shalt  }
0x5c: {  	_ =	shalt  }
0x5d: {  	_ =	shalt  }
0x5e: {  	_ =	shalt  }
0x5f: {  	_ =	shalt  }
0x60: {  	_ =	shalt  }
0x61: {  	_ =	shalt  }
0x62: {  	_ =	shalt  }
0x63: {  	_ =	shalt  }
0x64: {  	_ =	shalt  }
0x65: {  	_ =	shalt  }
0x66: {  	_ =	shalt  }
0x67: {  	_ =	shalt  }
0x68: {  	_ =	shalt  }
0x69: {  	_ =	shalt  }
0x6a: {  	_ =	shalt  }
0x6b: {  	_ =	shalt  }
0x6c: {  	_ =	shalt  }
0x6d: {  	_ =	shalt  }
0x6e: {  	_ =	shalt  }
0x6f: {  	_ =	shalt  }
0x70: {  	_ =	shalt  }
0x71: {  	_ =	shalt  }
0x72: {  	_ =	shalt  }
0x73: {  	_ =	shalt  }
0x74: {  	_ =	shalt  }
0x75: {  	_ =	shalt  }
0x76: {  	_ =	shalt  }
0x77: {  	_ =	shalt  }
0x78: {  	_ =	shalt  }
0x79: {  	_ =	shalt  }
0x7a: {  	_ =	shalt  }
0x7b: {  	_ =	shalt  }
0x7c: {  	_ =	shalt  }
0x7d: {  	_ =	shalt  }
0x7e: {  	_ =	shalt  }
0x7f: {  	_ =	shalt  }
0x80: {  	_ =	shalt  }
0x81: {  	_ =	shalt  }
0x82: {  	_ =	shalt  }
0x83: {  	_ =	shalt  }
0x84: {  	_ =	shalt  }
0x85: {  	_ =	shalt  }
0x86: {  	_ =	shalt  }
0x87: {  	_ =	shalt  }
.Lfunc_end0:
.L_simem_size_0:
called_computation_lowered:
.L_overlay_start_0:
0x88: {  	s2 =	sld [smem:$0x3FD9]  }
0x89: {  	s3 =	sld [smem:$0x3FFE];
	_ =	sdelay $0x1  }
0x8a: {  	s1 =	srdreg.scid  }
0x8b: {  	s0 =	sand.u32 $0x1, s1  }
0x8c: {  	s17 =	sshll.u32 s0, $0xA;
	s2 =	sadd.s32 s3, s2  }
0x8d: {  	s2 =	sadd.s32 s2, s17  }
0x8e: {  	[smem:$0x3FC6] =	sst s2  }
0x8f: {  	_ = 	snop  }
0x90: {  	s2 =	sld [smem:$0x3FC9]  }
0x91: {  	s18 =	sld [smem:$0x3FC8];
	(tm) =	ssettm $0x1  }
0x92: {  	s4 =	sld [smem:$0x3FFB];
	_ =	sdelay $0x3  }
0x93: {  	_ =	strace s4  }
0x94: {  	s4 =	sld [smem:$0x3FFC];
	_ =	sdelay $0x3  }
0x95: {  	_ =	strace s4  }
0x96: {  	s4 =	sld [smem:$0x3FFD];
	_ =	sdelay $0x3  }
0x97: {  	_ =	strace s4  }
0x98: {  	_ =	strace $0x8FFFFFFF  }
0x99: {  	s19 =	sld [smem:$0x3FDB];
	_ =	sdelay $0x1  }
0x9a: {  	s5 =	simm.s32 $_scs_section_size  }
0x9b: {  	s6 =	simm.s32 $_size__tile_overlayer_lowered;
	s7 =	simm.s32 $_tile_overlayer_lowered  }
0x9c: {  	s22 =	simm.s32 $0x1BFF;
	s21 =	sshll.u32 s7, $0x1;
	s4 =	sadd.s32 s5, s19  }
0x9d: {  	s8 =	simm.s32 $0x0;
	s20 =	sshll.u32 s6, $0x1;
	s6 =	sadd.s32 s21, s4  }
0x9e: {  	[timem:s8], [sflag:s22] =	dma.local [hbm:s6], s20  }
0x9f: {  	_ =	swait.ge [sflag:s22], s20  }
0xa0: {  	s5 =	ssub.s32 $0x0, s20;
	[sflag:s22] =	ssyncset.done $0x0  }
0xa1: {  	[sflag:s22] =	ssyncadd.s32 s5;
	_ =	sdelay $0x1  }
0xa2: {  	s23 =	simm.s32 $0x1B8B  }
0xa3: {  	_ =	swait.ge [sflag:s23], $0x1  }
0xa4: {  	[sflag:s23] =	ssyncset.done $0x0  }
0xa5: {  	s25 =	simm.s32 $0x1B8E;
	s24 =	sld [smem:$0x3FFE];
	[sflag:s23] =	ssyncadd.s32 $0xFFFFFFFF  }
0xa6: {  	s26 =	simm.s32 $execute0_lowered;
	[smem:$0x3FD2] =	sst s25  }
0xa7: {  	s6 =	sshll.u32 s26, $0x1;
	_ =	strace $0x80000046;
	[dreg:$0x1] =	wrdreg $0xFFFFFFFF  }
0xa8: {  	s28 =	simm.s32 $_size_execute0_lowered;
	s4 =	sadd.s32 s4, s6;
	[dreg:$0x0] =	wrdreg $0x0  }
0xa9: {  	s6 =	sshll.u32 s28, $0x1;
	[dreg:$0x2] =	wrdreg s4  }
0xaa: {  	[dreg:$0x3] =	wrdreg s6  }
0xab: {  	[dreg:$0x4] =	wrdreg $0xC0  }
0xac: {  	_ =	task [dreg:s8], $0x5FFFF  }
0xad: {  	[dreg:$0x1] =	wrdreg $0xFFFFFFFF  }
0xae: {  	[dreg:$0x0] =	wrdreg $0x60  }
0xaf: {  	[dreg:$0x2] =	wrdreg s18  }
0xb0: {  	[dreg:$0x3] =	wrdreg s2  }
0xb1: {  	[dreg:$0x4] =	wrdreg s24  }
0xb2: {  	[dreg:$0x5] =	wrdreg $0x9  }
0xb3: {  	_ =	task.clear_ibuf [dreg:s8], $0x6FFFF;
	_ =	strace $0x90000046  }
0xb4: {  	s29 =	simm.s32 $0x9;
	_ =	strace $0x80000048  }
0xb5: {  	_ =	swait.ge [sflag:s29], $0x1  }
0xb6: {  	[sflag:s29] =	ssyncadd.s32 $0xFFFFFFFF  }
0xb7: {  	_ =	strace $0x90000048  }
0xb8: {  	_ =	sfence  }
0xb9: {  	s30 =	sld [smem:$0x0];
	_ =	sdelay $0x2  }
0xba: {  	s31 =	sshll.u32 s1, $0xD;
	s1 =	sshrl.u32 s1, $0x2  }
0xbb: {  	s3 =	sand.u32 $0x4000, s31;
	s1 =	sadd.s32 s1, s30  }
0xbc: {  	s0 =	sor.u32 s3, s0;
	s1 =	sshll.u32 s1, $0x11  }
0xbd: {  	s0 =	sor.u32 s1, s0  }
0xbe: {  	s0 =	sadd.s32 $0x8F2B, s0  }
0xbf: {  	[sflag:s0] =	ssyncadd.remote.s32 $0x1  }
0xc0: {  	_ =	sfence.sel $0xFFFF  }
0xc1: {  	[dreg:$0x0] =	wrdreg $0xFFFFFFFF;
	(pc) =	sbr.abs _section_cstart, $3  }
0xc2: {  	[dreg:$0x1] =	wrdreg $0xFFFFFFFF  }
0xc3: {  	_ =	task.clear_ibuf [dreg:s8], $0x2FFFF;
	_ =	strace $0x9FFFFFFF  }
0xc4: {  	(tm) =	ssettm $0x7FFFFFFF  }
0xc5: {  	_ =	shalt  }
tec
execute0_lowered:
.L_overlay_start_1:
0x0: {  	(tag) =	ssettag $0x1  }
0x1: {  	s1 =	rddreg [dreg:$0x0]  }
0x2: {  	s0 =	rddreg [dreg:$0x1]  }
0x3: {  	s2 =	srdreg.scid;
	s3 =	stileid.u32  }
0x4: {  	s4 =	rddreg [dreg:$0x2];
	s11 =	simm.s32 $0x3;
	s17 =	simm.s32 $0x2A00  }
0x5: {  	s18 =	simm.s32 $0x3200;
	s19 =	simm.s32 $0x3A00;
	s20 =	simm.s32 $0x8200  }
0x6: {  	s21 =	simm.s32 $0x4200;
	s22 =	simm.s32 $0x4A00;
	s23 =	simm.s32 $0x5200  }
0x7: {  	s24 =	simm.s32 $0x5A00;
	s28 =	simm.s32 $0x7200;
	s29 =	simm.s32 $0x7A00  }
0x8: {  	s30 =	simm.s32 $0xC200;
	s2 =	sand.u32 $0x1, s2;
	s5 =	sshll.u32 s3, $0x1  }
0x9: {  	s31 =	simm.s32 $0x1;
	s3 =	simm.s32 $0x0;
	s5 =	sor.u32 s2, s5  }
0xa: {  	[smem:$0x7FF] =	sst s3;
	s2 =	ssub.s32 $0x2, s2;
	s6 =	sshll.u32 s5, $0x6  }
0xb: {  	_ =	strace $0x80000047;
	s7 =	sshll.u32 s5, $0x4;
	s5 =	sshll.u32 s5, $0xD  }
0xc: {  	s25 =	sshrl.u32 s2, $0x1;
	s6 =	sadd.s32 s6, s4;
	s9 =	sadd.s32 s7, s4  }
0xd: {  	s4 =	sadd.s32 s0, s5;
	s26 =	ssub.s32 s2, s25;
	s25 =	simm.s32 $0x6200  }
0xe: {  	v2 =	vlaneseq.u32;
	s2 =	simm.s32 $0x2;
	s0 =	simm.s32 $0x0;
	s5 =	sadd.s32 $0x600, s6  }
0xf: {  	vm0 =	vmmov $0xffff;
	v1 =	vshrl.u32 v2, $0x3;
	s6 =	sadd.s32 $0x800, s4;
	s7 =	sadd.s32 $0x1000, s4;
	s8 =	sadd.s32 $0x1800, s4  }
0x10: {  	v0 =	vand.u32 $0x7, v2;
	v2 =	vor.u32 $0x8, v2;
	v1 =	vmul.u32 $0x8, v1;
	s9 =	sadd.s32 $0xE00, s9;
	s10 =	smax.u32 s26, $0x1;
	s26 =	simm.s32 $0x6A00  }
.LBB2_1:
0x11: {  	[tilespmem:s3], [sflag:$0x3] =	stream.linear.gather [hbm4b:s5+s3], $0x200, $0x38;
	[tilespmem:$0x10280] =	vst v63  }
0x12: {  	_ =	swait.ge [sflag:s11], $0x200  }
0x13: {  	[sflag:s11] =	ssyncset.done $0x0  }
0x14: {  	[sflag:s11] =	ssyncadd.s32 $0xFFFFFE00  }
0x15: {  	v3 =	vld [tilespmem:$0x0];
	_ =	sdelay $0x4  }
0x16: {  	v4 =	vshll.u32 v3, $0x1  }
0x17: {  	v3 =	vand.u32 $0x7, v3;
	v4 =	vand.u32 $0xFFFFFFF0, v4  }
0x18: {  	v3 =	vor.u32 v3, v4  }
0x19: {  	v4 =	vperm.xlane v3, v0;
	_ =	sdelay $0x1  }
0x1a: {  	v3 =	vperm.xlane v3, v2;
	v4 =	vadd.s32 v1, v4;
	_ =	sdelay $0x1  }
0x1b: {  	v3 =	vadd.s32 v1, v3;
	_ =	sdelay $0x1  }
0x1c: {  	s12 =	simm.s32 $0x200  }
0x1d: {  	[tilespmem:s12], [sflag:$0x1] =	stream.indirect_vreg.gather [hbm4b:s1+s3], $0x80, v4, vm0, $0xb8;
	[tilespmem:$0x10280] =	vst v63  }
0x1e: {  	s15 =	simm.s32 $0xA00  }
0x1f: {  	[tilespmem:s15], [sflag:$0x1] =	stream.indirect_vreg.gather [hbm4b:s1+s3], $0x80, v3, vm0, $0xb8;
	[tilespmem:$0x10280] =	vst v63  }
0x20: {  	v3 =	vld [tilespmem:$0x10];
	_ =	sdelay $0x4  }
0x21: {  	v4 =	vshll.u32 v3, $0x1  }
0x22: {  	v3 =	vand.u32 $0x7, v3;
	v4 =	vand.u32 $0xFFFFFFF0, v4  }
0x23: {  	v3 =	vor.u32 v3, v4  }
0x24: {  	v4 =	vperm.xlane v3, v0;
	_ =	sdelay $0x1  }
0x25: {  	v3 =	vperm.xlane v3, v2;
	v4 =	vadd.s32 v1, v4;
	_ =	sdelay $0x1  }
0x26: {  	v3 =	vadd.s32 v1, v3;
	_ =	sdelay $0x1  }
0x27: {  	s16 =	simm.s32 $0x1200  }
0x28: {  	[tilespmem:s16], [sflag:$0x1] =	stream.indirect_vreg.gather [hbm4b:s1+s3], $0x80, v4, vm0, $0xb8;
	[tilespmem:$0x10280] =	vst v63  }
0x29: {  	s13 =	simm.s32 $0x1A00  }
0x2a: {  	[tilespmem:s13], [sflag:$0x1] =	stream.indirect_vreg.gather [hbm4b:s1+s3], $0x80, v3, vm0, $0xb8;
	[tilespmem:$0x10280] =	vst v63  }
0x2b: {  	v3 =	vld [tilespmem:$0x20];
	_ =	sdelay $0x4  }
0x2c: {  	v4 =	vshll.u32 v3, $0x1  }
0x2d: {  	v3 =	vand.u32 $0x7, v3;
	v4 =	vand.u32 $0xFFFFFFF0, v4  }
0x2e: {  	v3 =	vor.u32 v3, v4  }
0x2f: {  	v4 =	vperm.xlane v3, v0;
	_ =	sdelay $0x1  }
0x30: {  	v3 =	vperm.xlane v3, v2;
	v4 =	vadd.s32 v1, v4;
	_ =	sdelay $0x1  }
0x31: {  	v3 =	vadd.s32 v1, v3;
	_ =	sdelay $0x1  }
0x32: {  	s14 =	simm.s32 $0x2200  }
0x33: {  	[tilespmem:s14], [sflag:$0x1] =	stream.indirect_vreg.gather [hbm4b:s1+s3], $0x80, v4, vm0, $0xb8;
	[tilespmem:$0x10280] =	vst v63  }
0x34: {  	_ = 	snop  }
0x35: {  	[tilespmem:s17], [sflag:$0x1] =	stream.indirect_vreg.gather [hbm4b:s1+s3], $0x80, v3, vm0, $0xb8;
	[tilespmem:$0x10280] =	vst v63  }
0x36: {  	v3 =	vld [tilespmem:$0x30];
	_ =	sdelay $0x4  }
0x37: {  	v4 =	vshll.u32 v3, $0x1  }
0x38: {  	v3 =	vand.u32 $0x7, v3;
	v4 =	vand.u32 $0xFFFFFFF0, v4  }
0x39: {  	v3 =	vor.u32 v3, v4  }
0x3a: {  	v4 =	vperm.xlane v3, v0;
	_ =	sdelay $0x1  }
0x3b: {  	v3 =	vperm.xlane v3, v2;
	v4 =	vadd.s32 v1, v4;
	_ =	sdelay $0x1  }
0x3c: {  	v3 =	vadd.s32 v1, v3;
	_ =	sdelay $0x2  }
0x3d: {  	[tilespmem:s18], [sflag:$0x1] =	stream.indirect_vreg.gather [hbm4b:s1+s3], $0x80, v4, vm0, $0xb8;
	[tilespmem:$0x10280] =	vst v63  }
0x3e: {  	_ = 	snop  }
0x3f: {  	[tilespmem:s19], [sflag:$0x1] =	stream.indirect_vreg.gather [hbm4b:s1+s3], $0x80, v3, vm0, $0xb8;
	[tilespmem:$0x10280] =	vst v63  }
0x40: {  	_ = 	snop  }
0x41: {  	[tilespmem:s20], [sflag:$0x2] =	stream.linear.gather [hbm4b:s4+s3], $0x4000, $0x38;
	[tilespmem:$0x10280] =	vst v63  }
0x42: {  	v3 =	vld [tilespmem:$0x80];
	_ =	sdelay $0x4  }
0x43: {  	v4 =	vshll.u32 v3, $0x1  }
0x44: {  	v3 =	vand.u32 $0x7, v3;
	v4 =	vand.u32 $0xFFFFFFF0, v4  }
0x45: {  	v3 =	vor.u32 v3, v4  }
0x46: {  	v4 =	vperm.xlane v3, v0;
	_ =	sdelay $0x1  }
0x47: {  	v3 =	vperm.xlane v3, v2;
	v4 =	vadd.s32 v1, v4;
	_ =	sdelay $0x1  }
0x48: {  	v3 =	vadd.s32 v1, v3;
	_ =	sdelay $0x2  }
0x49: {  	[tilespmem:s21], [sflag:$0x1] =	stream.indirect_vreg.gather [hbm4b:s1+s3], $0x80, v4, vm0, $0xb8;
	[tilespmem:$0x10280] =	vst v63  }
0x4a: {  	_ = 	snop  }
0x4b: {  	[tilespmem:s22], [sflag:$0x1] =	stream.indirect_vreg.gather [hbm4b:s1+s3], $0x80, v3, vm0, $0xb8;
	[tilespmem:$0x10280] =	vst v63  }
0x4c: {  	v3 =	vld [tilespmem:$0x90];
	_ =	sdelay $0x4  }
0x4d: {  	v4 =	vshll.u32 v3, $0x1  }
0x4e: {  	v3 =	vand.u32 $0x7, v3;
	v4 =	vand.u32 $0xFFFFFFF0, v4  }
0x4f: {  	v3 =	vor.u32 v3, v4  }
0x50: {  	v4 =	vperm.xlane v3, v0;
	_ =	sdelay $0x1  }
0x51: {  	v3 =	vperm.xlane v3, v2;
	v4 =	vadd.s32 v1, v4;
	_ =	sdelay $0x1  }
0x52: {  	v3 =	vadd.s32 v1, v3;
	_ =	sdelay $0x2  }
0x53: {  	[tilespmem:s23], [sflag:$0x1] =	stream.indirect_vreg.gather [hbm4b:s1+s3], $0x80, v4, vm0, $0xb8;
	[tilespmem:$0x10280] =	vst v63  }
0x54: {  	_ = 	snop  }
0x55: {  	[tilespmem:s24], [sflag:$0x1] =	stream.indirect_vreg.gather [hbm4b:s1+s3], $0x80, v3, vm0, $0xb8;
	[tilespmem:$0x10280] =	vst v63  }
0x56: {  	v3 =	vld [tilespmem:$0xA0];
	_ =	sdelay $0x4  }
0x57: {  	v4 =	vshll.u32 v3, $0x1  }
0x58: {  	v3 =	vand.u32 $0x7, v3;
	v4 =	vand.u32 $0xFFFFFFF0, v4  }
0x59: {  	v3 =	vor.u32 v3, v4  }
0x5a: {  	v4 =	vperm.xlane v3, v0;
	_ =	sdelay $0x1  }
0x5b: {  	v3 =	vperm.xlane v3, v2;
	v4 =	vadd.s32 v1, v4;
	_ =	sdelay $0x1  }
0x5c: {  	v3 =	vadd.s32 v1, v3;
	_ =	sdelay $0x2  }
0x5d: {  	[tilespmem:s25], [sflag:$0x1] =	stream.indirect_vreg.gather [hbm4b:s1+s3], $0x80, v4, vm0, $0xb8;
	[tilespmem:$0x10280] =	vst v63  }
0x5e: {  	_ = 	snop  }
0x5f: {  	[tilespmem:s26], [sflag:$0x1] =	stream.indirect_vreg.gather [hbm4b:s1+s3], $0x80, v3, vm0, $0xb8;
	[tilespmem:$0x10280] =	vst v63  }
0x60: {  	v3 =	vld [tilespmem:$0xB0];
	_ =	sdelay $0x4  }
0x61: {  	v4 =	vshll.u32 v3, $0x1  }
0x62: {  	v3 =	vand.u32 $0x7, v3;
	v4 =	vand.u32 $0xFFFFFFF0, v4  }
0x63: {  	v3 =	vor.u32 v3, v4  }
0x64: {  	v4 =	vperm.xlane v3, v0;
	_ =	sdelay $0x1  }
0x65: {  	v3 =	vperm.xlane v3, v2;
	v4 =	vadd.s32 v1, v4;
	_ =	sdelay $0x1  }
0x66: {  	v3 =	vadd.s32 v1, v3;
	_ =	sdelay $0x2  }
0x67: {  	[tilespmem:s28], [sflag:$0x1] =	stream.indirect_vreg.gather [hbm4b:s1+s3], $0x80, v4, vm0, $0xb8;
	[tilespmem:$0x10280] =	vst v63  }
0x68: {  	_ = 	snop  }
0x69: {  	[tilespmem:s29], [sflag:$0x1] =	stream.indirect_vreg.gather [hbm4b:s1+s3], $0x80, v3, vm0, $0xb8;
	[tilespmem:$0x10280] =	vst v63  }
0x6a: {  	_ = 	snop  }
0x6b: {  	[tilespmem:s30], [sflag:$0x2] =	stream.linear.gather [hbm4b:s6+s3], $0x4000, $0x38;
	[tilespmem:$0x10280] =	vst v63  }
0x6c: {  	_ =	swait.ge [sflag:s31], $0x4000  }
0x6d: {  	[sflag:s31] =	ssyncset.done $0x0  }
0x6e: {  	[sflag:s31] =	ssyncadd.s32 $0xFFFFC000  }
0x6f: {  	_ =	swait.ge [sflag:s2], $0x4000  }
0x70: {  	s15 =	sand.u32 $0x3800, s3;
	s13 =	sand.u32 $0x380, s3;
	[sflag:s2] =	ssyncset.done $0x0  }
0x71: {  	s14 =	sor.u32 s13, s15;
	[sflag:s2] =	ssyncadd.s32 $0xFFFFC000  }
0x72: {  	v3 =	vld [tilespmem:s14+$0x8200]  }
0x73: {  	v4 =	vld [tilespmem:s14+$0x200]  }
0x74: {  	v5 =	vld [tilespmem:s14+$0x8210]  }
0x75: {  	v6 =	vld [tilespmem:s14+$0x210]  }
0x76: {  	v7 =	vld [tilespmem:s14+$0x8220]  }
0x77: {  	v8 =	vld [tilespmem:s14+$0x220]  }
0x78: {  	v9 =	vld [tilespmem:s14+$0x230];
	v3 =	vsub.f32 v3, v4  }
0x79: {  	v4 =	vld [tilespmem:s14+$0x8230]  }
0x7a: {  	v10 =	vimm.f32 $0.0e+00;
	v5 =	vsub.f32 v5, v6;
	v6 =	vld [tilespmem:s14+$0x8240];
	v3 =	vand.u32 $0x7FFFFFFF, v3  }
0x7b: {  	v3 =	vadd.f32 v3, v10;
	v10 =	vld [tilespmem:s14+$0x240]  }
0x7c: {  	v7 =	vsub.f32 v7, v8;
	v8 =	vld [tilespmem:s14+$0x8250];
	v5 =	vand.u32 $0x7FFFFFFF, v5  }
0x7d: {  	v3 =	vadd.f32 v5, v3;
	v5 =	vld [tilespmem:s14+$0x250]  }
0x7e: {  	v7 =	vand.u32 $0x7FFFFFFF, v7;
	v4 =	vsub.f32 v4, v9;
	v9 =	vld [tilespmem:s14+$0x8260]  }
0x7f: {  	v3 =	vadd.f32 v7, v3;
	v7 =	vld [tilespmem:s14+$0x260]  }
0x80: {  	v4 =	vand.u32 $0x7FFFFFFF, v4;
	v6 =	vsub.f32 v6, v10;
	v10 =	vld [tilespmem:s14+$0x8270]  }
0x81: {  	v3 =	vadd.f32 v4, v3;
	v4 =	vld [tilespmem:s14+$0x270]  }
0x82: {  	v6 =	vand.u32 $0x7FFFFFFF, v6;
	v5 =	vsub.f32 v8, v5;
	v8 =	vld [tilespmem:s14+$0x8600]  }
0x83: {  	v3 =	vadd.f32 v6, v3;
	v6 =	vld [tilespmem:s14+$0x600]  }
0x84: {  	v5 =	vand.u32 $0x7FFFFFFF, v5;
	v7 =	vsub.f32 v9, v7;
	v9 =	vld [tilespmem:s14+$0x8610]  }
0x85: {  	v3 =	vadd.f32 v5, v3;
	v5 =	vld [tilespmem:s14+$0x610]  }
0x86: {  	v7 =	vand.u32 $0x7FFFFFFF, v7;
	v4 =	vsub.f32 v10, v4;
	v10 =	vld [tilespmem:s14+$0x8620]  }
0x87: {  	v3 =	vadd.f32 v7, v3;
	v7 =	vld [tilespmem:s14+$0x620]  }
0x88: {  	v4 =	vand.u32 $0x7FFFFFFF, v4;
	v6 =	vsub.f32 v8, v6;
	v8 =	vld [tilespmem:s14+$0x8630]  }
0x89: {  	v3 =	vadd.f32 v4, v3;
	v4 =	vld [tilespmem:s14+$0x630]  }
0x8a: {  	v11 =	vld [tilespmem:s14+$0x640];
	v6 =	vand.u32 $0x7FFFFFFF, v6;
	v5 =	vsub.f32 v9, v5  }
0x8b: {  	v9 =	vld [tilespmem:s14+$0x8640];
	v6 =	vadd.f32 v6, v3  }
0x8c: {  	v3 =	vld [tilespmem:s14+$0x8650];
	v5 =	vand.u32 $0x7FFFFFFF, v5;
	v7 =	vsub.f32 v10, v7  }
0x8d: {  	v6 =	vadd.f32 v5, v6;
	v5 =	vld [tilespmem:s14+$0x650]  }
0x8e: {  	v7 =	vand.u32 $0x7FFFFFFF, v7;
	v8 =	vsub.f32 v8, v4;
	v4 =	vld [tilespmem:s14+$0x8660]  }
0x8f: {  	s16 =	simm.s32 $0x100;
	s13 =	simm.s32 $0x80;
	v12 =	vadd.f32 v7, v6;
	v6 =	vld [tilespmem:s14+$0x660]  }
0x90: {  	s12 =	sand.u32 $0x3800, s16;
	s15 =	sand.u32 $0x380, s13;
	v7 =	vld [tilespmem:s14+$0x8670];
	v10 =	vsub.f32 v9, v11;
	v8 =	vand.u32 $0x7FFFFFFF, v8  }
0x91: {  	s12 =	sor.u32 s15, s12;
	v9 =	vadd.f32 v8, v12;
	v8 =	vld [tilespmem:s14+$0x670];
	s14 =	simm.s32 $0x200  }
.LBB2_2:
0x92: {  	p0 =	sne.s32 s14, $0x3F00;
	v11 =	vld [tilespmem:s12+$0x8200];
	v10 =	vand.u32 $0x7FFFFFFF, v10;
	v3 =	vsub.f32 v3, v5  }
0x93: {  	v5 =	vld [tilespmem:s12+$0x200];
	v9 =	vadd.f32 v10, v9  }
0x94: {  	v10 =	vld [tilespmem:s12+$0x8210];
	v3 =	vand.u32 $0x7FFFFFFF, v3;
	v4 =	vsub.f32 v4, v6  }
0x95: {  	v6 =	vld [tilespmem:s12+$0x210];
	v3 =	vadd.f32 v3, v9  }
0x96: {  	v9 =	vld [tilespmem:s12+$0x8220];
	v4 =	vand.u32 $0x7FFFFFFF, v4;
	v7 =	vsub.f32 v7, v8  }
0x97: {  	v8 =	vld [tilespmem:s12+$0x220];
	v3 =	vadd.f32 v4, v3  }
0x98: {  	v4 =	vsub.f32 v11, v5;
	v5 =	vld [tilespmem:s12+$0x8230];
	v7 =	vand.u32 $0x7FFFFFFF, v7  }
0x99: {  	v11 =	vld [tilespmem:s12+$0x230];
	v3 =	vadd.f32 v7, v3  }
0x9a: {  	v4 =	vand.u32 $0x7FFFFFFF, v4;
	v6 =	vsub.f32 v10, v6;
	v7 =	vld [tilespmem:s12+$0x8240]  }
0x9b: {  	v3 =	vadd.f32 v4, v3;
	v4 =	vld [tilespmem:s12+$0x240]  }
0x9c: {  	v6 =	vand.u32 $0x7FFFFFFF, v6;
	v8 =	vsub.f32 v9, v8;
	v9 =	vld [tilespmem:s12+$0x8250]  }
0x9d: {  	v3 =	vadd.f32 v6, v3;
	v6 =	vld [tilespmem:s12+$0x250]  }
0x9e: {  	v8 =	vand.u32 $0x7FFFFFFF, v8;
	v5 =	vsub.f32 v5, v11;
	v10 =	vld [tilespmem:s12+$0x8260]  }
0x9f: {  	v3 =	vadd.f32 v8, v3;
	v8 =	vld [tilespmem:s12+$0x260]  }
0xa0: {  	v5 =	vand.u32 $0x7FFFFFFF, v5;
	v4 =	vsub.f32 v7, v4;
	v7 =	vld [tilespmem:s12+$0x8270]  }
0xa1: {  	v3 =	vadd.f32 v5, v3;
	v5 =	vld [tilespmem:s12+$0x270]  }
0xa2: {  	v4 =	vand.u32 $0x7FFFFFFF, v4;
	v6 =	vsub.f32 v9, v6;
	v9 =	vld [tilespmem:s12+$0x8600]  }
0xa3: {  	v3 =	vadd.f32 v4, v3;
	v4 =	vld [tilespmem:s12+$0x600]  }
0xa4: {  	v6 =	vand.u32 $0x7FFFFFFF, v6;
	v8 =	vsub.f32 v10, v8;
	v10 =	vld [tilespmem:s12+$0x8610]  }
0xa5: {  	v3 =	vadd.f32 v6, v3;
	v6 =	vld [tilespmem:s12+$0x610]  }
0xa6: {  	v8 =	vand.u32 $0x7FFFFFFF, v8;
	v5 =	vsub.f32 v7, v5;
	v7 =	vld [tilespmem:s12+$0x8620]  }
0xa7: {  	v3 =	vadd.f32 v8, v3;
	v8 =	vld [tilespmem:s12+$0x620]  }
0xa8: {  	v5 =	vand.u32 $0x7FFFFFFF, v5;
	v4 =	vsub.f32 v9, v4;
	v9 =	vld [tilespmem:s12+$0x8630]  }
0xa9: {  	v3 =	vadd.f32 v5, v3;
	v11 =	vld [tilespmem:s12+$0x630]  }
0xaa: {  	v4 =	vand.u32 $0x7FFFFFFF, v4;
	v5 =	vsub.f32 v10, v6;
	v10 =	vld [tilespmem:s12+$0x8640]  }
0xab: {  	v4 =	vadd.f32 v4, v3;
	v12 =	vld [tilespmem:s12+$0x640]  }
0xac: {  	v5 =	vand.u32 $0x7FFFFFFF, v5;
	v6 =	vsub.f32 v7, v8;
	v3 =	vld [tilespmem:s12+$0x8650]  }
.Ltmp0:
0xad: {  	v7 =	vadd.f32 v5, v4;
	v5 =	vld [tilespmem:s12+$0x650];
	(pc) =	sbr.rel @p0 .LBB2_2-.Ltmp0, $4  }
0xae: {  	v6 =	vand.u32 $0x7FFFFFFF, v6;
	v8 =	vsub.f32 v9, v11;
	v4 =	vld [tilespmem:s12+$0x8660]  }
0xaf: {  	s13 =	sadd.s32 $0x80, s13;
	v9 =	vadd.f32 v6, v7;
	v6 =	vld [tilespmem:s12+$0x660]  }
0xb0: {  	s15 =	sand.u32 $0x3800, s14;
	s16 =	sand.u32 $0x380, s13;
	v8 =	vand.u32 $0x7FFFFFFF, v8;
	v10 =	vsub.f32 v10, v12;
	v7 =	vld [tilespmem:s12+$0x8670]  }
0xb1: {  	s14 =	sadd.s32 $0x100, s14;
	v9 =	vadd.f32 v8, v9;
	v8 =	vld [tilespmem:s12+$0x670];
	s12 =	sor.u32 s16, s15  }
0xb2: {  	v11 =	vld [tilespmem:s12+$0x8200]  }
0xb3: {  	v12 =	vld [tilespmem:s12+$0x200]  }
0xb4: {  	v13 =	vld [tilespmem:s12+$0x8210]  }
0xb5: {  	v14 =	vld [tilespmem:s12+$0x210]  }
0xb6: {  	v15 =	vld [tilespmem:s12+$0x8220]  }
0xb7: {  	v16 =	vld [tilespmem:s12+$0x220]  }
0xb8: {  	v17 =	vld [tilespmem:s12+$0x8230]  }
0xb9: {  	v18 =	vld [tilespmem:s12+$0x230]  }
0xba: {  	v19 =	vld [tilespmem:s12+$0x8240]  }
0xbb: {  	v20 =	vld [tilespmem:s12+$0x240]  }
0xbc: {  	v21 =	vld [tilespmem:s12+$0x8250]  }
0xbd: {  	v22 =	vld [tilespmem:s12+$0x250]  }
0xbe: {  	v23 =	vld [tilespmem:s12+$0x8260]  }
0xbf: {  	v24 =	vld [tilespmem:s12+$0x260]  }
0xc0: {  	v25 =	vld [tilespmem:s12+$0x8270]  }
0xc1: {  	v26 =	vld [tilespmem:s12+$0x270]  }
0xc2: {  	v27 =	vld [tilespmem:s12+$0x8600]  }
0xc3: {  	v28 =	vld [tilespmem:s12+$0x600]  }
0xc4: {  	v29 =	vld [tilespmem:$0x100]  }
0xc5: {  	v30 =	vld [tilespmem:s12+$0x8610]  }
0xc6: {  	v31 =	vld [tilespmem:s12+$0x610]  }
0xc7: {  	v32 =	vld [tilespmem:s12+$0x8620]  }
0xc8: {  	v33 =	vld [tilespmem:s12+$0x620]  }
0xc9: {  	v34 =	vld [tilespmem:s12+$0x8630];
	v35 =	vshll.u32 v29, $0x1  }
0xca: {  	v36 =	vld [tilespmem:s12+$0x630];
	v29 =	vand.u32 $0x7, v29;
	v35 =	vand.u32 $0xFFFFFFF0, v35  }
0xcb: {  	v37 =	vld [tilespmem:s12+$0x8640];
	v29 =	vor.u32 v29, v35  }
0xcc: {  	v61 =	vld [tilespmem:s12+$0x640];
	v38 =	vperm.xlane v29, v0  }
0xcd: {  	v39 =	vld [tilespmem:s12+$0x8650]  }
0xce: {  	v40 =	vld [tilespmem:s12+$0x650];
	v29 =	vperm.xlane v29, v2;
	v38 =	vadd.s32 v1, v38  }
0xcf: {  	v41 =	vld [tilespmem:s12+$0x8660]  }
0xd0: {  	v42 =	vld [tilespmem:s12+$0x660];
	v29 =	vadd.s32 v1, v29  }
0xd1: {  	v43 =	vld [tilespmem:s12+$0x8670]  }
0xd2: {  	v44 =	vld [tilespmem:s12+$0x670];
	s12 =	simm.s32 $0x0;
	s13 =	simm.s32 $0x200  }
0xd3: {  	[tilespmem:s13], [sflag:$0x1] =	stream.indirect_vreg.gather [hbm4b:s1+s12], $0x80, v38, vm0, $0xb8;
	[tilespmem:$0x10280] =	vst v63  }
0xd4: {  	s14 =	simm.s32 $0xA00  }
0xd5: {  	[tilespmem:s14], [sflag:$0x1] =	stream.indirect_vreg.gather [hbm4b:s1+s12], $0x80, v29, vm0, $0xb8;
	[tilespmem:$0x10280] =	vst v63  }
0xd6: {  	v29 =	vld [tilespmem:$0x110];
	_ =	sdelay $0x4  }
0xd7: {  	v62 =	vshll.u32 v29, $0x1  }
0xd8: {  	v29 =	vand.u32 $0x7, v29;
	v38 =	vand.u32 $0xFFFFFFF0, v62  }
0xd9: {  	v29 =	vor.u32 v29, v38  }
0xda: {  	v38 =	vperm.xlane v29, v0;
	_ =	sdelay $0x1  }
0xdb: {  	v29 =	vperm.xlane v29, v2;
	v38 =	vadd.s32 v1, v38;
	_ =	sdelay $0x1  }
0xdc: {  	v29 =	vadd.s32 v1, v29;
	_ =	sdelay $0x1  }
0xdd: {  	s15 =	simm.s32 $0x1200  }
0xde: {  	[tilespmem:s15], [sflag:$0x1] =	stream.indirect_vreg.gather [hbm4b:s1+s12], $0x80, v38, vm0, $0xb8;
	[tilespmem:$0x10280] =	vst v63  }
0xdf: {  	s16 =	simm.s32 $0x1A00  }
0xe0: {  	[tilespmem:s16], [sflag:$0x1] =	stream.indirect_vreg.gather [hbm4b:s1+s12], $0x80, v29, vm0, $0xb8;
	[tilespmem:$0x10280] =	vst v63  }
0xe1: {  	v29 =	vld [tilespmem:$0x120];
	_ =	sdelay $0x4  }
0xe2: {  	v63 =	vshll.u32 v29, $0x1  }
0xe3: {  	v29 =	vand.u32 $0x7, v29;
	v38 =	vand.u32 $0xFFFFFFF0, v63  }
0xe4: {  	v29 =	vor.u32 v29, v38  }
0xe5: {  	v38 =	vperm.xlane v29, v0;
	_ =	sdelay $0x1  }
0xe6: {  	v29 =	vperm.xlane v29, v2;
	v38 =	vadd.s32 v1, v38;
	_ =	sdelay $0x1  }
0xe7: {  	v3 =	vsub.f32 v3, v5;
	v5 =	vand.u32 $0x7FFFFFFF, v10;
	v10 =	vadd.s32 v1, v29  }
0xe8: {  	v5 =	vadd.f32 v5, v9  }
0xe9: {  	v4 =	vsub.f32 v4, v6;
	v3 =	vand.u32 $0x7FFFFFFF, v3;
	s14 =	simm.s32 $0x2200  }
0xea: {  	v3 =	vadd.f32 v3, v5;
	[tilespmem:s14], [sflag:$0x1] =	stream.indirect_vreg.gather [hbm4b:s1+s12], $0x80, v38, vm0, $0xb8;
	[tilespmem:$0x10280] =	vst v63  }
0xeb: {  	v5 =	vsub.f32 v7, v8;
	v4 =	vand.u32 $0x7FFFFFFF, v4  }
0xec: {  	v3 =	vadd.f32 v4, v3;
	[tilespmem:s17], [sflag:$0x1] =	stream.indirect_vreg.gather [hbm4b:s1+s12], $0x80, v10, vm0, $0xb8;
	[tilespmem:$0x10280] =	vst v63  }
0xed: {  	v4 =	vsub.f32 v11, v12;
	v5 =	vand.u32 $0x7FFFFFFF, v5;
	v6 =	vld [tilespmem:$0x130]  }
0xee: {  	v3 =	vadd.f32 v5, v3  }
0xef: {  	v5 =	vsub.f32 v13, v14;
	v4 =	vand.u32 $0x7FFFFFFF, v4  }
0xf0: {  	v3 =	vadd.f32 v4, v3  }
0xf1: {  	v4 =	vsub.f32 v15, v16;
	v5 =	vand.u32 $0x7FFFFFFF, v5  }
0xf2: {  	v3 =	vadd.f32 v5, v3;
	v5 =	vsub.f32 v17, v18;
	v7 =	vshll.u32 v6, $0x1  }
0xf3: {  	v4 =	vand.u32 $0x7FFFFFFF, v4;
	v6 =	vand.u32 $0x7, v6;
	v7 =	vand.u32 $0xFFFFFFF0, v7  }
0xf4: {  	v3 =	vadd.f32 v4, v3;
	v4 =	vor.u32 v6, v7  }
0xf5: {  	v5 =	vand.u32 $0x7FFFFFFF, v5;
	v6 =	vsub.f32 v19, v20;
	v7 =	vperm.xlane v4, v0  }
0xf6: {  	v3 =	vadd.f32 v5, v3;
	v5 =	vsub.f32 v21, v22  }
0xf7: {  	v4 =	vperm.xlane v4, v2;
	v6 =	vand.u32 $0x7FFFFFFF, v6;
	v7 =	vadd.s32 v1, v7  }
0xf8: {  	v3 =	vadd.f32 v6, v3  }
0xf9: {  	v5 =	vand.u32 $0x7FFFFFFF, v5;
	v6 =	vsub.f32 v23, v24;
	v4 =	vadd.s32 v1, v4  }
0xfa: {  	v3 =	vadd.f32 v5, v3  }
0xfb: {  	v5 =	vsub.f32 v25, v26;
	v6 =	vand.u32 $0x7FFFFFFF, v6  }
0xfc: {  	v3 =	vadd.f32 v6, v3;
	[tilespmem:s18], [sflag:$0x1] =	stream.indirect_vreg.gather [hbm4b:s1+s12], $0x80, v7, vm0, $0xb8;
	[tilespmem:$0x10280] =	vst v63  }
0xfd: {  	v6 =	vsub.f32 v27, v28;
	v5 =	vand.u32 $0x7FFFFFFF, v5  }
0xfe: {  	v3 =	vadd.f32 v5, v3;
	[tilespmem:s19], [sflag:$0x1] =	stream.indirect_vreg.gather [hbm4b:s1+s12], $0x80, v4, vm0, $0xb8;
	[tilespmem:$0x10280] =	vst v63  }
0xff: {  	v5 =	vand.u32 $0x7FFFFFFF, v6;
	v4 =	vsub.f32 v30, v31  }
0x100: {  	v3 =	vadd.f32 v5, v3;
	[tilespmem:s20], [sflag:$0x2] =	stream.linear.gather [hbm4b:s7+s12], $0x4000, $0x38;
	[tilespmem:$0x10280] =	vst v63  }
0x101: {  	v5 =	vsub.f32 v32, v33;
	v4 =	vand.u32 $0x7FFFFFFF, v4;
	_ =	swait.ge [sflag:s31], $0x4000  }
0x102: {  	v3 =	vadd.f32 v4, v3;
	[sflag:s31] =	ssyncset.done $0x0  }
0x103: {  	v4 =	vsub.f32 v34, v36;
	v5 =	vand.u32 $0x7FFFFFFF, v5;
	[sflag:s31] =	ssyncadd.s32 $0xFFFFC000  }
0x104: {  	v3 =	vadd.f32 v5, v3;
	_ =	swait.ge [sflag:s2], $0x4000  }
0x105: {  	s15 =	sand.u32 $0x3800, s12;
	s12 =	sand.u32 $0x380, s12;
	v5 =	vsub.f32 v37, v61;
	v4 =	vand.u32 $0x7FFFFFFF, v4;
	[sflag:s2] =	ssyncset.done $0x0  }
0x106: {  	s15 =	sor.u32 s12, s15;
	v3 =	vadd.f32 v4, v3;
	[sflag:s2] =	ssyncadd.s32 $0xFFFFC000  }
0x107: {  	v4 =	vand.u32 $0x7FFFFFFF, v5;
	v5 =	vsub.f32 v39, v40;
	v6 =	vld [tilespmem:s15+$0xC200]  }
0x108: {  	v3 =	vadd.f32 v4, v3;
	v4 =	vld [tilespmem:s15+$0x4200]  }
0x109: {  	v7 =	vsub.f32 v41, v42;
	v5 =	vand.u32 $0x7FFFFFFF, v5;
	v8 =	vld [tilespmem:s15+$0xC210]  }
0x10a: {  	v3 =	vadd.f32 v5, v3;
	v5 =	vld [tilespmem:s15+$0x4210]  }
0x10b: {  	v9 =	vsub.f32 v43, v44;
	v7 =	vand.u32 $0x7FFFFFFF, v7;
	v10 =	vld [tilespmem:s15+$0xC220]  }
0x10c: {  	v3 =	vadd.f32 v7, v3;
	v7 =	vld [tilespmem:s15+$0x4220]  }
0x10d: {  	v9 =	vand.u32 $0x7FFFFFFF, v9;
	v4 =	vsub.f32 v6, v4;
	v6 =	vld [tilespmem:s15+$0xC230]  }
0x10e: {  	v3 =	vadd.f32 v9, v3;
	v9 =	vld [tilespmem:s15+$0x4230]  }
0x10f: {  	v4 =	vand.u32 $0x7FFFFFFF, v4;
	v5 =	vsub.f32 v8, v5;
	v8 =	vld [tilespmem:s15+$0xC240]  }
0x110: {  	v3 =	vadd.f32 v4, v3;
	v4 =	vld [tilespmem:s15+$0x4240]  }
0x111: {  	v5 =	vand.u32 $0x7FFFFFFF, v5;
	v7 =	vsub.f32 v10, v7;
	v10 =	vld [tilespmem:s15+$0xC250]  }
0x112: {  	v3 =	vadd.f32 v5, v3;
	v5 =	vld [tilespmem:s15+$0x4250]  }
0x113: {  	v7 =	vand.u32 $0x7FFFFFFF, v7;
	v6 =	vsub.f32 v6, v9;
	v9 =	vld [tilespmem:s15+$0xC260]  }
0x114: {  	v3 =	vadd.f32 v7, v3;
	v7 =	vld [tilespmem:s15+$0x4260]  }
0x115: {  	v6 =	vand.u32 $0x7FFFFFFF, v6;
	v4 =	vsub.f32 v8, v4;
	v8 =	vld [tilespmem:s15+$0xC270]  }
0x116: {  	v3 =	vadd.f32 v6, v3;
	v6 =	vld [tilespmem:s15+$0x4270]  }
0x117: {  	v4 =	vand.u32 $0x7FFFFFFF, v4;
	v5 =	vsub.f32 v10, v5;
	v10 =	vld [tilespmem:s15+$0xC600]  }
0x118: {  	v3 =	vadd.f32 v4, v3;
	v4 =	vld [tilespmem:s15+$0x4600]  }
0x119: {  	v5 =	vand.u32 $0x7FFFFFFF, v5;
	v7 =	vsub.f32 v9, v7;
	v9 =	vld [tilespmem:s15+$0xC610]  }
0x11a: {  	v3 =	vadd.f32 v5, v3;
	v5 =	vld [tilespmem:s15+$0x4610]  }
0x11b: {  	v7 =	vand.u32 $0x7FFFFFFF, v7;
	v6 =	vsub.f32 v8, v6;
	v8 =	vld [tilespmem:s15+$0xC620]  }
0x11c: {  	v3 =	vadd.f32 v7, v3;
	v7 =	vld [tilespmem:s15+$0x4620]  }
0x11d: {  	v6 =	vand.u32 $0x7FFFFFFF, v6;
	v4 =	vsub.f32 v10, v4;
	v10 =	vld [tilespmem:s15+$0xC630]  }
0x11e: {  	v3 =	vadd.f32 v6, v3;
	v6 =	vld [tilespmem:s15+$0x4630]  }
0x11f: {  	v11 =	vld [tilespmem:s15+$0x4640];
	v4 =	vand.u32 $0x7FFFFFFF, v4;
	v5 =	vsub.f32 v9, v5  }
0x120: {  	v9 =	vld [tilespmem:s15+$0xC640];
	v4 =	vadd.f32 v4, v3  }
0x121: {  	v3 =	vld [tilespmem:s15+$0xC650];
	v5 =	vand.u32 $0x7FFFFFFF, v5;
	v7 =	vsub.f32 v8, v7  }
0x122: {  	v8 =	vadd.f32 v5, v4;
	v5 =	vld [tilespmem:s15+$0x4650]  }
0x123: {  	v4 =	vld [tilespmem:s15+$0xC660];
	v7 =	vand.u32 $0x7FFFFFFF, v7;
	v10 =	vsub.f32 v10, v6  }
0x124: {  	s13 =	simm.s32 $0x80;
	s16 =	simm.s32 $0x100;
	v6 =	vld [tilespmem:s15+$0x4660];
	v8 =	vadd.f32 v7, v8  }
0x125: {  	s14 =	sand.u32 $0x380, s13;
	s12 =	sand.u32 $0x3800, s16;
	v7 =	vld [tilespmem:s15+$0xC670];
	v9 =	vsub.f32 v9, v11;
	v10 =	vand.u32 $0x7FFFFFFF, v10  }
0x126: {  	s12 =	sor.u32 s14, s12;
	s14 =	simm.s32 $0x200;
	v10 =	vadd.f32 v10, v8;
	v8 =	vld [tilespmem:s15+$0x4670]  }
.LBB2_4:
0x127: {  	p0 =	sne.s32 s14, $0x3F00;
	v11 =	vld [tilespmem:s12+$0xC200];
	v9 =	vand.u32 $0x7FFFFFFF, v9;
	v3 =	vsub.f32 v3, v5  }
0x128: {  	v5 =	vld [tilespmem:s12+$0x4200];
	v9 =	vadd.f32 v9, v10  }
0x129: {  	v10 =	vld [tilespmem:s12+$0xC210];
	v3 =	vand.u32 $0x7FFFFFFF, v3;
	v4 =	vsub.f32 v4, v6  }
0x12a: {  	v6 =	vld [tilespmem:s12+$0x4210];
	v3 =	vadd.f32 v3, v9  }
0x12b: {  	v9 =	vld [tilespmem:s12+$0xC220];
	v4 =	vand.u32 $0x7FFFFFFF, v4;
	v7 =	vsub.f32 v7, v8  }
0x12c: {  	v8 =	vld [tilespmem:s12+$0x4220];
	v3 =	vadd.f32 v4, v3  }
0x12d: {  	v4 =	vsub.f32 v11, v5;
	v5 =	vld [tilespmem:s12+$0xC230];
	v7 =	vand.u32 $0x7FFFFFFF, v7  }
0x12e: {  	v11 =	vld [tilespmem:s12+$0x4230];
	v3 =	vadd.f32 v7, v3  }
0x12f: {  	v4 =	vand.u32 $0x7FFFFFFF, v4;
	v6 =	vsub.f32 v10, v6;
	v7 =	vld [tilespmem:s12+$0xC240]  }
0x130: {  	v3 =	vadd.f32 v4, v3;
	v4 =	vld [tilespmem:s12+$0x4240]  }
0x131: {  	v6 =	vand.u32 $0x7FFFFFFF, v6;
	v8 =	vsub.f32 v9, v8;
	v9 =	vld [tilespmem:s12+$0xC250]  }
0x132: {  	v3 =	vadd.f32 v6, v3;
	v6 =	vld [tilespmem:s12+$0x4250]  }
0x133: {  	v8 =	vand.u32 $0x7FFFFFFF, v8;
	v5 =	vsub.f32 v5, v11;
	v10 =	vld [tilespmem:s12+$0xC260]  }
0x134: {  	v3 =	vadd.f32 v8, v3;
	v8 =	vld [tilespmem:s12+$0x4260]  }
0x135: {  	v5 =	vand.u32 $0x7FFFFFFF, v5;
	v4 =	vsub.f32 v7, v4;
	v7 =	vld [tilespmem:s12+$0xC270]  }
0x136: {  	v3 =	vadd.f32 v5, v3;
	v5 =	vld [tilespmem:s12+$0x4270]  }
0x137: {  	v4 =	vand.u32 $0x7FFFFFFF, v4;
	v6 =	vsub.f32 v9, v6;
	v9 =	vld [tilespmem:s12+$0xC600]  }
0x138: {  	v3 =	vadd.f32 v4, v3;
	v4 =	vld [tilespmem:s12+$0x4600]  }
0x139: {  	v6 =	vand.u32 $0x7FFFFFFF, v6;
	v8 =	vsub.f32 v10, v8;
	v10 =	vld [tilespmem:s12+$0xC610]  }
0x13a: {  	v3 =	vadd.f32 v6, v3;
	v6 =	vld [tilespmem:s12+$0x4610]  }
0x13b: {  	v8 =	vand.u32 $0x7FFFFFFF, v8;
	v5 =	vsub.f32 v7, v5;
	v7 =	vld [tilespmem:s12+$0xC620]  }
0x13c: {  	v3 =	vadd.f32 v8, v3;
	v8 =	vld [tilespmem:s12+$0x4620]  }
0x13d: {  	v5 =	vand.u32 $0x7FFFFFFF, v5;
	v4 =	vsub.f32 v9, v4;
	v9 =	vld [tilespmem:s12+$0xC630]  }
0x13e: {  	v3 =	vadd.f32 v5, v3;
	v11 =	vld [tilespmem:s12+$0x4630]  }
0x13f: {  	v4 =	vand.u32 $0x7FFFFFFF, v4;
	v5 =	vsub.f32 v10, v6;
	v10 =	vld [tilespmem:s12+$0xC640]  }
0x140: {  	v4 =	vadd.f32 v4, v3;
	v12 =	vld [tilespmem:s12+$0x4640]  }
0x141: {  	v5 =	vand.u32 $0x7FFFFFFF, v5;
	v6 =	vsub.f32 v7, v8;
	v3 =	vld [tilespmem:s12+$0xC650]  }
.Ltmp1:
0x142: {  	v7 =	vadd.f32 v5, v4;
	v5 =	vld [tilespmem:s12+$0x4650];
	(pc) =	sbr.rel @p0 .LBB2_4-.Ltmp1, $4  }
0x143: {  	v6 =	vand.u32 $0x7FFFFFFF, v6;
	v8 =	vsub.f32 v9, v11;
	v4 =	vld [tilespmem:s12+$0xC660]  }
0x144: {  	s13 =	sadd.s32 $0x80, s13;
	v11 =	vadd.f32 v6, v7;
	v6 =	vld [tilespmem:s12+$0x4660]  }
0x145: {  	s15 =	sand.u32 $0x3800, s14;
	s16 =	sand.u32 $0x380, s13;
	v8 =	vand.u32 $0x7FFFFFFF, v8;
	v9 =	vsub.f32 v10, v12;
	v7 =	vld [tilespmem:s12+$0xC670]  }
0x146: {  	s14 =	sadd.s32 $0x100, s14;
	v10 =	vadd.f32 v8, v11;
	v8 =	vld [tilespmem:s12+$0x4670];
	s12 =	sor.u32 s16, s15  }
0x147: {  	v11 =	vld [tilespmem:s12+$0xC200]  }
0x148: {  	v12 =	vld [tilespmem:s12+$0x4200]  }
0x149: {  	v13 =	vld [tilespmem:s12+$0xC210]  }
0x14a: {  	v14 =	vld [tilespmem:s12+$0x4210]  }
0x14b: {  	v15 =	vld [tilespmem:s12+$0xC220]  }
0x14c: {  	v16 =	vld [tilespmem:s12+$0x4220]  }
0x14d: {  	v17 =	vld [tilespmem:s12+$0xC230]  }
0x14e: {  	v18 =	vld [tilespmem:s12+$0x4230]  }
0x14f: {  	v19 =	vld [tilespmem:s12+$0xC240]  }
0x150: {  	v20 =	vld [tilespmem:s12+$0x4240]  }
0x151: {  	v21 =	vld [tilespmem:s12+$0xC250]  }
0x152: {  	v22 =	vld [tilespmem:s12+$0x4250]  }
0x153: {  	v23 =	vld [tilespmem:s12+$0xC260]  }
0x154: {  	v24 =	vld [tilespmem:s12+$0x4260]  }
0x155: {  	v25 =	vld [tilespmem:s12+$0xC270]  }
0x156: {  	v26 =	vld [tilespmem:s12+$0x4270]  }
0x157: {  	v27 =	vld [tilespmem:s12+$0xC600]  }
0x158: {  	v29 =	vld [tilespmem:$0x180]  }
0x159: {  	v28 =	vld [tilespmem:s12+$0x4600]  }
0x15a: {  	v30 =	vld [tilespmem:s12+$0xC610]  }
0x15b: {  	v31 =	vld [tilespmem:s12+$0x4610]  }
0x15c: {  	v32 =	vld [tilespmem:s12+$0xC620]  }
0x15d: {  	v33 =	vld [tilespmem:s12+$0x4620];
	v35 =	vshll.u32 v29, $0x1  }
0x15e: {  	v34 =	vld [tilespmem:s12+$0xC630];
	v29 =	vand.u32 $0x7, v29;
	v35 =	vand.u32 $0xFFFFFFF0, v35  }
0x15f: {  	v36 =	vld [tilespmem:s12+$0x4630];
	v29 =	vor.u32 v29, v35  }
0x160: {  	v37 =	vld [tilespmem:s12+$0xC640];
	v38 =	vperm.xlane v29, v0  }
0x161: {  	v61 =	vld [tilespmem:s12+$0x4640]  }
0x162: {  	v39 =	vld [tilespmem:s12+$0xC650];
	v29 =	vperm.xlane v29, v2;
	v38 =	vadd.s32 v1, v38  }
0x163: {  	v40 =	vld [tilespmem:s12+$0x4650]  }
0x164: {  	v41 =	vld [tilespmem:s12+$0xC660];
	v29 =	vadd.s32 v1, v29  }
0x165: {  	v42 =	vld [tilespmem:s12+$0x4660]  }
0x166: {  	v43 =	vld [tilespmem:s12+$0xC670];
	s15 =	simm.s32 $0x0  }
0x167: {  	v44 =	vld [tilespmem:s12+$0x4670];
	[tilespmem:s21], [sflag:$0x1] =	stream.indirect_vreg.gather [hbm4b:s1+s15], $0x80, v38, vm0, $0xb8  }
0x168: {  	_ = 	snop  }
0x169: {  	[tilespmem:s22], [sflag:$0x1] =	stream.indirect_vreg.gather [hbm4b:s1+s15], $0x80, v29, vm0, $0xb8;
	[tilespmem:$0x10280] =	vst v63  }
0x16a: {  	v29 =	vld [tilespmem:$0x190];
	_ =	sdelay $0x4  }
0x16b: {  	v62 =	vshll.u32 v29, $0x1  }
0x16c: {  	v29 =	vand.u32 $0x7, v29;
	v38 =	vand.u32 $0xFFFFFFF0, v62  }
0x16d: {  	v29 =	vor.u32 v29, v38  }
0x16e: {  	v38 =	vperm.xlane v29, v0;
	_ =	sdelay $0x1  }
0x16f: {  	v29 =	vperm.xlane v29, v2;
	v38 =	vadd.s32 v1, v38;
	_ =	sdelay $0x1  }
0x170: {  	v29 =	vadd.s32 v1, v29;
	_ =	sdelay $0x2  }
0x171: {  	[tilespmem:s23], [sflag:$0x1] =	stream.indirect_vreg.gather [hbm4b:s1+s15], $0x80, v38, vm0, $0xb8;
	[tilespmem:$0x10280] =	vst v63  }
0x172: {  	_ = 	snop  }
0x173: {  	[tilespmem:s24], [sflag:$0x1] =	stream.indirect_vreg.gather [hbm4b:s1+s15], $0x80, v29, vm0, $0xb8;
	[tilespmem:$0x10280] =	vst v63  }
0x174: {  	v29 =	vld [tilespmem:$0x1A0];
	_ =	sdelay $0x4  }
0x175: {  	v63 =	vshll.u32 v29, $0x1  }
0x176: {  	v29 =	vand.u32 $0x7, v29;
	v38 =	vand.u32 $0xFFFFFFF0, v63  }
0x177: {  	v29 =	vor.u32 v29, v38  }
0x178: {  	v38 =	vperm.xlane v29, v0;
	_ =	sdelay $0x1  }
0x179: {  	v29 =	vperm.xlane v29, v2;
	v38 =	vadd.s32 v1, v38;
	_ =	sdelay $0x1  }
0x17a: {  	v3 =	vsub.f32 v3, v5;
	v5 =	vand.u32 $0x7FFFFFFF, v9;
	v9 =	vadd.s32 v1, v29  }
0x17b: {  	v5 =	vadd.f32 v5, v10  }
0x17c: {  	v4 =	vsub.f32 v4, v6;
	v3 =	vand.u32 $0x7FFFFFFF, v3  }
0x17d: {  	v3 =	vadd.f32 v3, v5;
	[tilespmem:s25], [sflag:$0x1] =	stream.indirect_vreg.gather [hbm4b:s1+s15], $0x80, v38, vm0, $0xb8;
	[tilespmem:$0x10280] =	vst v63  }
0x17e: {  	v5 =	vsub.f32 v7, v8;
	v4 =	vand.u32 $0x7FFFFFFF, v4  }
0x17f: {  	v3 =	vadd.f32 v4, v3;
	[tilespmem:s26], [sflag:$0x1] =	stream.indirect_vreg.gather [hbm4b:s1+s15], $0x80, v9, vm0, $0xb8;
	[tilespmem:$0x10280] =	vst v63  }
0x180: {  	v4 =	vsub.f32 v11, v12;
	v5 =	vand.u32 $0x7FFFFFFF, v5;
	v6 =	vld [tilespmem:$0x1B0]  }
0x181: {  	v3 =	vadd.f32 v5, v3  }
0x182: {  	v5 =	vsub.f32 v13, v14;
	v4 =	vand.u32 $0x7FFFFFFF, v4  }
0x183: {  	v3 =	vadd.f32 v4, v3  }
0x184: {  	v4 =	vsub.f32 v15, v16;
	v5 =	vand.u32 $0x7FFFFFFF, v5  }
0x185: {  	v3 =	vadd.f32 v5, v3;
	v5 =	vsub.f32 v17, v18;
	v7 =	vshll.u32 v6, $0x1  }
0x186: {  	v4 =	vand.u32 $0x7FFFFFFF, v4;
	v6 =	vand.u32 $0x7, v6;
	v7 =	vand.u32 $0xFFFFFFF0, v7  }
0x187: {  	v3 =	vadd.f32 v4, v3;
	v4 =	vor.u32 v6, v7  }
0x188: {  	v5 =	vand.u32 $0x7FFFFFFF, v5;
	v6 =	vsub.f32 v19, v20;
	v7 =	vperm.xlane v4, v0  }
0x189: {  	v3 =	vadd.f32 v5, v3;
	v5 =	vsub.f32 v21, v22  }
0x18a: {  	v4 =	vperm.xlane v4, v2;
	v6 =	vand.u32 $0x7FFFFFFF, v6;
	v7 =	vadd.s32 v1, v7  }
0x18b: {  	v3 =	vadd.f32 v6, v3  }
0x18c: {  	v5 =	vand.u32 $0x7FFFFFFF, v5;
	v6 =	vsub.f32 v23, v24;
	v4 =	vadd.s32 v1, v4  }
0x18d: {  	v3 =	vadd.f32 v5, v3  }
0x18e: {  	v5 =	vsub.f32 v25, v26;
	v6 =	vand.u32 $0x7FFFFFFF, v6  }
0x18f: {  	v3 =	vadd.f32 v6, v3;
	[tilespmem:s28], [sflag:$0x1] =	stream.indirect_vreg.gather [hbm4b:s1+s15], $0x80, v7, vm0, $0xb8;
	[tilespmem:$0x10280] =	vst v63  }
0x190: {  	v6 =	vsub.f32 v27, v28;
	v5 =	vand.u32 $0x7FFFFFFF, v5  }
0x191: {  	v3 =	vadd.f32 v5, v3;
	[tilespmem:s29], [sflag:$0x1] =	stream.indirect_vreg.gather [hbm4b:s1+s15], $0x80, v4, vm0, $0xb8;
	[tilespmem:$0x10280] =	vst v63  }
0x192: {  	v5 =	vand.u32 $0x7FFFFFFF, v6;
	v4 =	vsub.f32 v30, v31  }
0x193: {  	v3 =	vadd.f32 v5, v3;
	[tilespmem:s30], [sflag:$0x2] =	stream.linear.gather [hbm4b:s8+s15], $0x4000, $0x38;
	[tilespmem:$0x10280] =	vst v63  }
0x194: {  	v5 =	vsub.f32 v32, v33;
	v4 =	vand.u32 $0x7FFFFFFF, v4;
	_ =	swait.ge [sflag:s31], $0x4000  }
0x195: {  	v3 =	vadd.f32 v4, v3;
	[sflag:s31] =	ssyncset.done $0x0  }
0x196: {  	v4 =	vsub.f32 v34, v36;
	v5 =	vand.u32 $0x7FFFFFFF, v5;
	[sflag:s31] =	ssyncadd.s32 $0xFFFFC000  }
0x197: {  	v3 =	vadd.f32 v5, v3;
	_ =	swait.ge [sflag:s2], $0x4000  }
0x198: {  	s13 =	sand.u32 $0x3800, s15;
	s12 =	sand.u32 $0x380, s15;
	v5 =	vsub.f32 v37, v61;
	v4 =	vand.u32 $0x7FFFFFFF, v4;
	[sflag:s2] =	ssyncset.done $0x0  }
0x199: {  	s15 =	sor.u32 s12, s13;
	v3 =	vadd.f32 v4, v3;
	[sflag:s2] =	ssyncadd.s32 $0xFFFFC000  }
0x19a: {  	v4 =	vand.u32 $0x7FFFFFFF, v5;
	v5 =	vsub.f32 v39, v40;
	v6 =	vld [tilespmem:s15+$0x8200]  }
0x19b: {  	v3 =	vadd.f32 v4, v3;
	v4 =	vld [tilespmem:s15+$0x200]  }
0x19c: {  	v7 =	vsub.f32 v41, v42;
	v5 =	vand.u32 $0x7FFFFFFF, v5;
	v8 =	vld [tilespmem:s15+$0x8210]  }
0x19d: {  	v3 =	vadd.f32 v5, v3;
	v5 =	vld [tilespmem:s15+$0x210]  }
0x19e: {  	v9 =	vsub.f32 v43, v44;
	v7 =	vand.u32 $0x7FFFFFFF, v7;
	v10 =	vld [tilespmem:s15+$0x8220]  }
0x19f: {  	v3 =	vadd.f32 v7, v3;
	v7 =	vld [tilespmem:s15+$0x220]  }
0x1a0: {  	v9 =	vand.u32 $0x7FFFFFFF, v9;
	v4 =	vsub.f32 v6, v4;
	v6 =	vld [tilespmem:s15+$0x8230]  }
0x1a1: {  	v3 =	vadd.f32 v9, v3;
	v9 =	vld [tilespmem:s15+$0x230]  }
0x1a2: {  	v4 =	vand.u32 $0x7FFFFFFF, v4;
	v5 =	vsub.f32 v8, v5;
	v8 =	vld [tilespmem:s15+$0x8240]  }
0x1a3: {  	v3 =	vadd.f32 v4, v3;
	v4 =	vld [tilespmem:s15+$0x240]  }
0x1a4: {  	v5 =	vand.u32 $0x7FFFFFFF, v5;
	v7 =	vsub.f32 v10, v7;
	v10 =	vld [tilespmem:s15+$0x8250]  }
0x1a5: {  	v3 =	vadd.f32 v5, v3;
	v5 =	vld [tilespmem:s15+$0x250]  }
0x1a6: {  	v7 =	vand.u32 $0x7FFFFFFF, v7;
	v6 =	vsub.f32 v6, v9;
	v9 =	vld [tilespmem:s15+$0x8260]  }
0x1a7: {  	v3 =	vadd.f32 v7, v3;
	v7 =	vld [tilespmem:s15+$0x260]  }
0x1a8: {  	v6 =	vand.u32 $0x7FFFFFFF, v6;
	v4 =	vsub.f32 v8, v4;
	v8 =	vld [tilespmem:s15+$0x8270]  }
0x1a9: {  	v3 =	vadd.f32 v6, v3;
	v6 =	vld [tilespmem:s15+$0x270]  }
0x1aa: {  	v4 =	vand.u32 $0x7FFFFFFF, v4;
	v5 =	vsub.f32 v10, v5;
	v10 =	vld [tilespmem:s15+$0x8600]  }
0x1ab: {  	v3 =	vadd.f32 v4, v3;
	v4 =	vld [tilespmem:s15+$0x600]  }
0x1ac: {  	v5 =	vand.u32 $0x7FFFFFFF, v5;
	v7 =	vsub.f32 v9, v7;
	v9 =	vld [tilespmem:s15+$0x8610]  }
0x1ad: {  	v3 =	vadd.f32 v5, v3;
	v5 =	vld [tilespmem:s15+$0x610]  }
0x1ae: {  	v7 =	vand.u32 $0x7FFFFFFF, v7;
	v6 =	vsub.f32 v8, v6;
	v8 =	vld [tilespmem:s15+$0x8620]  }
0x1af: {  	v3 =	vadd.f32 v7, v3;
	v7 =	vld [tilespmem:s15+$0x620]  }
0x1b0: {  	v6 =	vand.u32 $0x7FFFFFFF, v6;
	v4 =	vsub.f32 v10, v4;
	v10 =	vld [tilespmem:s15+$0x8630]  }
0x1b1: {  	v3 =	vadd.f32 v6, v3;
	v6 =	vld [tilespmem:s15+$0x630]  }
0x1b2: {  	v11 =	vld [tilespmem:s15+$0x640];
	v4 =	vand.u32 $0x7FFFFFFF, v4;
	v5 =	vsub.f32 v9, v5  }
0x1b3: {  	v9 =	vld [tilespmem:s15+$0x8640];
	v4 =	vadd.f32 v4, v3  }
0x1b4: {  	v3 =	vld [tilespmem:s15+$0x8650];
	v5 =	vand.u32 $0x7FFFFFFF, v5;
	v7 =	vsub.f32 v8, v7  }
0x1b5: {  	v8 =	vadd.f32 v5, v4;
	v5 =	vld [tilespmem:s15+$0x650]  }
0x1b6: {  	v4 =	vld [tilespmem:s15+$0x8660];
	v7 =	vand.u32 $0x7FFFFFFF, v7;
	v10 =	vsub.f32 v10, v6  }
0x1b7: {  	s16 =	simm.s32 $0x100;
	s13 =	simm.s32 $0x80;
	v6 =	vld [tilespmem:s15+$0x660];
	v8 =	vadd.f32 v7, v8  }
0x1b8: {  	s12 =	sand.u32 $0x3800, s16;
	s14 =	sand.u32 $0x380, s13;
	v7 =	vld [tilespmem:s15+$0x8670];
	v9 =	vsub.f32 v9, v11;
	v10 =	vand.u32 $0x7FFFFFFF, v10  }
0x1b9: {  	s12 =	sor.u32 s14, s12;
	s14 =	simm.s32 $0x200;
	v10 =	vadd.f32 v10, v8;
	v8 =	vld [tilespmem:s15+$0x670]  }
.LBB2_6:
0x1ba: {  	p0 =	sne.s32 s14, $0x3F00;
	v11 =	vld [tilespmem:s12+$0x8200];
	v9 =	vand.u32 $0x7FFFFFFF, v9;
	v3 =	vsub.f32 v3, v5  }
0x1bb: {  	v5 =	vld [tilespmem:s12+$0x200];
	v9 =	vadd.f32 v9, v10  }
0x1bc: {  	v10 =	vld [tilespmem:s12+$0x8210];
	v3 =	vand.u32 $0x7FFFFFFF, v3;
	v4 =	vsub.f32 v4, v6  }
0x1bd: {  	v6 =	vld [tilespmem:s12+$0x210];
	v3 =	vadd.f32 v3, v9  }
0x1be: {  	v9 =	vld [tilespmem:s12+$0x8220];
	v4 =	vand.u32 $0x7FFFFFFF, v4;
	v7 =	vsub.f32 v7, v8  }
0x1bf: {  	v8 =	vld [tilespmem:s12+$0x220];
	v3 =	vadd.f32 v4, v3  }
0x1c0: {  	v4 =	vsub.f32 v11, v5;
	v5 =	vld [tilespmem:s12+$0x8230];
	v7 =	vand.u32 $0x7FFFFFFF, v7  }
0x1c1: {  	v11 =	vld [tilespmem:s12+$0x230];
	v3 =	vadd.f32 v7, v3  }
0x1c2: {  	v4 =	vand.u32 $0x7FFFFFFF, v4;
	v6 =	vsub.f32 v10, v6;
	v7 =	vld [tilespmem:s12+$0x8240]  }
0x1c3: {  	v3 =	vadd.f32 v4, v3;
	v4 =	vld [tilespmem:s12+$0x240]  }
0x1c4: {  	v6 =	vand.u32 $0x7FFFFFFF, v6;
	v8 =	vsub.f32 v9, v8;
	v9 =	vld [tilespmem:s12+$0x8250]  }
0x1c5: {  	v3 =	vadd.f32 v6, v3;
	v6 =	vld [tilespmem:s12+$0x250]  }
0x1c6: {  	v8 =	vand.u32 $0x7FFFFFFF, v8;
	v5 =	vsub.f32 v5, v11;
	v10 =	vld [tilespmem:s12+$0x8260]  }
0x1c7: {  	v3 =	vadd.f32 v8, v3;
	v8 =	vld [tilespmem:s12+$0x260]  }
0x1c8: {  	v5 =	vand.u32 $0x7FFFFFFF, v5;
	v4 =	vsub.f32 v7, v4;
	v7 =	vld [tilespmem:s12+$0x8270]  }
0x1c9: {  	v3 =	vadd.f32 v5, v3;
	v5 =	vld [tilespmem:s12+$0x270]  }
0x1ca: {  	v4 =	vand.u32 $0x7FFFFFFF, v4;
	v6 =	vsub.f32 v9, v6;
	v9 =	vld [tilespmem:s12+$0x8600]  }
0x1cb: {  	v3 =	vadd.f32 v4, v3;
	v4 =	vld [tilespmem:s12+$0x600]  }
0x1cc: {  	v6 =	vand.u32 $0x7FFFFFFF, v6;
	v8 =	vsub.f32 v10, v8;
	v10 =	vld [tilespmem:s12+$0x8610]  }
0x1cd: {  	v3 =	vadd.f32 v6, v3;
	v6 =	vld [tilespmem:s12+$0x610]  }
0x1ce: {  	v8 =	vand.u32 $0x7FFFFFFF, v8;
	v5 =	vsub.f32 v7, v5;
	v7 =	vld [tilespmem:s12+$0x8620]  }
0x1cf: {  	v3 =	vadd.f32 v8, v3;
	v8 =	vld [tilespmem:s12+$0x620]  }
0x1d0: {  	v5 =	vand.u32 $0x7FFFFFFF, v5;
	v4 =	vsub.f32 v9, v4;
	v9 =	vld [tilespmem:s12+$0x8630]  }
0x1d1: {  	v3 =	vadd.f32 v5, v3;
	v11 =	vld [tilespmem:s12+$0x630]  }
0x1d2: {  	v4 =	vand.u32 $0x7FFFFFFF, v4;
	v5 =	vsub.f32 v10, v6;
	v10 =	vld [tilespmem:s12+$0x8640]  }
0x1d3: {  	v4 =	vadd.f32 v4, v3;
	v12 =	vld [tilespmem:s12+$0x640]  }
0x1d4: {  	v5 =	vand.u32 $0x7FFFFFFF, v5;
	v6 =	vsub.f32 v7, v8;
	v3 =	vld [tilespmem:s12+$0x8650]  }
.Ltmp2:
0x1d5: {  	v7 =	vadd.f32 v5, v4;
	v5 =	vld [tilespmem:s12+$0x650];
	(pc) =	sbr.rel @p0 .LBB2_6-.Ltmp2, $4  }
0x1d6: {  	v6 =	vand.u32 $0x7FFFFFFF, v6;
	v8 =	vsub.f32 v9, v11;
	v4 =	vld [tilespmem:s12+$0x8660]  }
0x1d7: {  	s13 =	sadd.s32 $0x80, s13;
	v11 =	vadd.f32 v6, v7;
	v6 =	vld [tilespmem:s12+$0x660]  }
0x1d8: {  	s15 =	sand.u32 $0x3800, s14;
	s16 =	sand.u32 $0x380, s13;
	v8 =	vand.u32 $0x7FFFFFFF, v8;
	v9 =	vsub.f32 v10, v12;
	v7 =	vld [tilespmem:s12+$0x8670]  }
0x1d9: {  	s14 =	sadd.s32 $0x100, s14;
	v10 =	vadd.f32 v8, v11;
	v8 =	vld [tilespmem:s12+$0x670];
	s12 =	sor.u32 s16, s15  }
0x1da: {  	v11 =	vld [tilespmem:s12+$0x8200]  }
0x1db: {  	v12 =	vld [tilespmem:s12+$0x200]  }
0x1dc: {  	v13 =	vld [tilespmem:s12+$0x8210]  }
0x1dd: {  	v14 =	vld [tilespmem:s12+$0x210]  }
0x1de: {  	v15 =	vld [tilespmem:s12+$0x8220]  }
0x1df: {  	v16 =	vld [tilespmem:s12+$0x220];
	v9 =	vand.u32 $0x7FFFFFFF, v9;
	v3 =	vsub.f32 v3, v5  }
0x1e0: {  	v5 =	vld [tilespmem:s12+$0x8230];
	v9 =	vadd.f32 v9, v10  }
0x1e1: {  	v54 =	vld [tilespmem:s12+$0x8260];
	v3 =	vand.u32 $0x7FFFFFFF, v3;
	v4 =	vsub.f32 v4, v6  }
0x1e2: {  	v55 =	vld [tilespmem:s12+$0x8270];
	v3 =	vadd.f32 v3, v9  }
0x1e3: {  	v56 =	vld [tilespmem:s12+$0x8600];
	v4 =	vand.u32 $0x7FFFFFFF, v4;
	v7 =	vsub.f32 v7, v8  }
0x1e4: {  	v57 =	vld [tilespmem:s12+$0x600];
	v3 =	vadd.f32 v4, v3  }
0x1e5: {  	v58 =	vld [tilespmem:s12+$0x610];
	v11 =	vsub.f32 v11, v12;
	v7 =	vand.u32 $0x7FFFFFFF, v7  }
0x1e6: {  	v10 =	vld [tilespmem:s12+$0x230];
	v3 =	vadd.f32 v7, v3  }
0x1e7: {  	v6 =	vld [tilespmem:s12+$0x8240];
	v13 =	vsub.f32 v13, v14;
	v11 =	vand.u32 $0x7FFFFFFF, v11  }
0x1e8: {  	v9 =	vld [tilespmem:s12+$0x240];
	v3 =	vadd.f32 v11, v3  }
0x1e9: {  	v8 =	vld [tilespmem:s12+$0x8250];
	v15 =	vsub.f32 v15, v16;
	v13 =	vand.u32 $0x7FFFFFFF, v13  }
0x1ea: {  	v4 =	vld [tilespmem:s12+$0x250];
	v3 =	vadd.f32 v13, v3  }
0x1eb: {  	v59 =	vld [tilespmem:s12+$0x8640];
	v5 =	vsub.f32 v5, v10;
	v15 =	vand.u32 $0x7FFFFFFF, v15  }
0x1ec: {  	v7 =	vld [tilespmem:s12+$0x260];
	v3 =	vadd.f32 v15, v3  }
0x1ed: {  	v60 =	vld [tilespmem:s12+$0x8650];
	v5 =	vand.u32 $0x7FFFFFFF, v5;
	v6 =	vsub.f32 v6, v9  }
0x1ee: {  	v11 =	vld [tilespmem:s12+$0x270];
	v3 =	vadd.f32 v5, v3  }
0x1ef: {  	v61 =	vld [tilespmem:s12+$0x8660];
	v6 =	vand.u32 $0x7FFFFFFF, v6;
	v4 =	vsub.f32 v8, v4  }
0x1f0: {  	v62 =	vld [tilespmem:s12+$0x8670];
	v3 =	vadd.f32 v6, v3  }
0x1f1: {  	v63 =	vld [tilespmem:s12+$0x670];
	v4 =	vand.u32 $0x7FFFFFFF, v4;
	v7 =	vsub.f32 v54, v7  }
0x1f2: {  	v10 =	vld [tilespmem:s12+$0x8610];
	v3 =	vadd.f32 v4, v3  }
0x1f3: {  	v9 =	vld [tilespmem:s12+$0x8620];
	v7 =	vand.u32 $0x7FFFFFFF, v7;
	v11 =	vsub.f32 v55, v11  }
0x1f4: {  	v5 =	vld [tilespmem:s12+$0x620];
	v3 =	vadd.f32 v7, v3  }
0x1f5: {  	v8 =	vld [tilespmem:s12+$0x8630];
	v13 =	vsub.f32 v56, v57;
	v11 =	vand.u32 $0x7FFFFFFF, v11  }
0x1f6: {  	v6 =	vld [tilespmem:s12+$0x630];
	v3 =	vadd.f32 v11, v3  }
0x1f7: {  	v10 =	vsub.f32 v10, v58;
	v13 =	vand.u32 $0x7FFFFFFF, v13;
	v4 =	vld [tilespmem:s12+$0x640]  }
0x1f8: {  	v7 =	vld [tilespmem:s12+$0x650];
	v3 =	vadd.f32 v13, v3  }
0x1f9: {  	v5 =	vsub.f32 v9, v5;
	v9 =	vand.u32 $0x7FFFFFFF, v10;
	v11 =	vld [tilespmem:s12+$0x660];
	_ =	swait.ge [sflag:s31], $0x4000  }
0x1fa: {  	[sflag:s31] =	ssyncset.done $0x0;
	v3 =	vadd.f32 v9, v3  }
0x1fb: {  	v6 =	vsub.f32 v8, v6;
	v5 =	vand.u32 $0x7FFFFFFF, v5;
	[sflag:s31] =	ssyncadd.s32 $0xFFFFC000  }
0x1fc: {  	s15 =	simm.s32 $0x0;
	_ =	swait.ge [sflag:s2], $0x4000;
	v3 =	vadd.f32 v5, v3  }
0x1fd: {  	s13 =	sand.u32 $0x3800, s15;
	s12 =	sand.u32 $0x380, s15;
	v4 =	vsub.f32 v59, v4;
	[sflag:s2] =	ssyncset.done $0x0;
	v5 =	vand.u32 $0x7FFFFFFF, v6  }
0x1fe: {  	s15 =	sor.u32 s12, s13;
	[sflag:s2] =	ssyncadd.s32 $0xFFFFC000;
	v3 =	vadd.f32 v5, v3  }
0x1ff: {  	v4 =	vand.u32 $0x7FFFFFFF, v4;
	v6 =	vld [tilespmem:s15+$0xC200];
	v5 =	vsub.f32 v60, v7  }
0x200: {  	v3 =	vadd.f32 v4, v3;
	v4 =	vld [tilespmem:s15+$0x4200]  }
0x201: {  	v8 =	vld [tilespmem:s15+$0xC210];
	v7 =	vsub.f32 v61, v11;
	v5 =	vand.u32 $0x7FFFFFFF, v5  }
0x202: {  	v3 =	vadd.f32 v5, v3;
	v5 =	vld [tilespmem:s15+$0x4210]  }
0x203: {  	v9 =	vsub.f32 v62, v63;
	v10 =	vld [tilespmem:s15+$0xC220];
	v7 =	vand.u32 $0x7FFFFFFF, v7  }
0x204: {  	v3 =	vadd.f32 v7, v3;
	v7 =	vld [tilespmem:s15+$0x4220]  }
0x205: {  	v9 =	vand.u32 $0x7FFFFFFF, v9;
	v4 =	vsub.f32 v6, v4;
	v6 =	vld [tilespmem:s15+$0xC230]  }
0x206: {  	v3 =	vadd.f32 v9, v3;
	v9 =	vld [tilespmem:s15+$0x4230]  }
0x207: {  	v4 =	vand.u32 $0x7FFFFFFF, v4;
	v5 =	vsub.f32 v8, v5;
	v8 =	vld [tilespmem:s15+$0xC240]  }
0x208: {  	v3 =	vadd.f32 v4, v3;
	v4 =	vld [tilespmem:s15+$0x4240]  }
0x209: {  	v5 =	vand.u32 $0x7FFFFFFF, v5;
	v7 =	vsub.f32 v10, v7;
	v10 =	vld [tilespmem:s15+$0xC250]  }
0x20a: {  	v3 =	vadd.f32 v5, v3;
	v5 =	vld [tilespmem:s15+$0x4250]  }
0x20b: {  	v7 =	vand.u32 $0x7FFFFFFF, v7;
	v6 =	vsub.f32 v6, v9;
	v9 =	vld [tilespmem:s15+$0xC260]  }
0x20c: {  	v3 =	vadd.f32 v7, v3;
	v7 =	vld [tilespmem:s15+$0x4260]  }
0x20d: {  	v6 =	vand.u32 $0x7FFFFFFF, v6;
	v4 =	vsub.f32 v8, v4;
	v8 =	vld [tilespmem:s15+$0xC270]  }
0x20e: {  	v3 =	vadd.f32 v6, v3;
	v6 =	vld [tilespmem:s15+$0x4270]  }
0x20f: {  	v4 =	vand.u32 $0x7FFFFFFF, v4;
	v5 =	vsub.f32 v10, v5;
	v10 =	vld [tilespmem:s15+$0xC600]  }
0x210: {  	v3 =	vadd.f32 v4, v3;
	v4 =	vld [tilespmem:s15+$0x4600]  }
0x211: {  	v5 =	vand.u32 $0x7FFFFFFF, v5;
	v7 =	vsub.f32 v9, v7;
	v9 =	vld [tilespmem:s15+$0xC610]  }
0x212: {  	v3 =	vadd.f32 v5, v3;
	v5 =	vld [tilespmem:s15+$0x4610]  }
0x213: {  	v7 =	vand.u32 $0x7FFFFFFF, v7;
	v6 =	vsub.f32 v8, v6;
	v8 =	vld [tilespmem:s15+$0xC620]  }
0x214: {  	v3 =	vadd.f32 v7, v3;
	v7 =	vld [tilespmem:s15+$0x4620]  }
0x215: {  	v6 =	vand.u32 $0x7FFFFFFF, v6;
	v4 =	vsub.f32 v10, v4;
	v10 =	vld [tilespmem:s15+$0xC630]  }
0x216: {  	v3 =	vadd.f32 v6, v3;
	v6 =	vld [tilespmem:s15+$0x4630]  }
0x217: {  	v11 =	vld [tilespmem:s15+$0x4640];
	v4 =	vand.u32 $0x7FFFFFFF, v4;
	v5 =	vsub.f32 v9, v5  }
0x218: {  	v9 =	vld [tilespmem:s15+$0xC640];
	v4 =	vadd.f32 v4, v3  }
0x219: {  	v3 =	vld [tilespmem:s15+$0xC650];
	v5 =	vand.u32 $0x7FFFFFFF, v5;
	v7 =	vsub.f32 v8, v7  }
0x21a: {  	v8 =	vadd.f32 v5, v4;
	v5 =	vld [tilespmem:s15+$0x4650]  }
0x21b: {  	v4 =	vld [tilespmem:s15+$0xC660];
	v7 =	vand.u32 $0x7FFFFFFF, v7;
	v10 =	vsub.f32 v10, v6  }
0x21c: {  	s16 =	simm.s32 $0x100;
	s13 =	simm.s32 $0x80;
	v6 =	vld [tilespmem:s15+$0x4660];
	v8 =	vadd.f32 v7, v8  }
0x21d: {  	s12 =	sand.u32 $0x3800, s16;
	s14 =	sand.u32 $0x380, s13;
	v7 =	vld [tilespmem:s15+$0xC670];
	v9 =	vsub.f32 v9, v11;
	v10 =	vand.u32 $0x7FFFFFFF, v10  }
0x21e: {  	s12 =	sor.u32 s14, s12;
	s14 =	simm.s32 $0x200;
	v10 =	vadd.f32 v10, v8;
	v8 =	vld [tilespmem:s15+$0x4670]  }
.LBB2_8:
0x21f: {  	p0 =	sne.s32 s14, $0x3F00;
	v11 =	vld [tilespmem:s12+$0xC200];
	v9 =	vand.u32 $0x7FFFFFFF, v9;
	v3 =	vsub.f32 v3, v5  }
0x220: {  	v5 =	vld [tilespmem:s12+$0x4200];
	v9 =	vadd.f32 v9, v10  }
0x221: {  	v10 =	vld [tilespmem:s12+$0xC210];
	v3 =	vand.u32 $0x7FFFFFFF, v3;
	v4 =	vsub.f32 v4, v6  }
0x222: {  	v6 =	vld [tilespmem:s12+$0x4210];
	v3 =	vadd.f32 v3, v9  }
0x223: {  	v9 =	vld [tilespmem:s12+$0xC220];
	v4 =	vand.u32 $0x7FFFFFFF, v4;
	v7 =	vsub.f32 v7, v8  }
0x224: {  	v8 =	vld [tilespmem:s12+$0x4220];
	v3 =	vadd.f32 v4, v3  }
0x225: {  	v4 =	vsub.f32 v11, v5;
	v5 =	vld [tilespmem:s12+$0xC230];
	v7 =	vand.u32 $0x7FFFFFFF, v7  }
0x226: {  	v11 =	vld [tilespmem:s12+$0x4230];
	v3 =	vadd.f32 v7, v3  }
0x227: {  	v4 =	vand.u32 $0x7FFFFFFF, v4;
	v6 =	vsub.f32 v10, v6;
	v7 =	vld [tilespmem:s12+$0xC240]  }
0x228: {  	v3 =	vadd.f32 v4, v3;
	v4 =	vld [tilespmem:s12+$0x4240]  }
0x229: {  	v6 =	vand.u32 $0x7FFFFFFF, v6;
	v8 =	vsub.f32 v9, v8;
	v9 =	vld [tilespmem:s12+$0xC250]  }
0x22a: {  	v3 =	vadd.f32 v6, v3;
	v6 =	vld [tilespmem:s12+$0x4250]  }
0x22b: {  	v8 =	vand.u32 $0x7FFFFFFF, v8;
	v5 =	vsub.f32 v5, v11;
	v10 =	vld [tilespmem:s12+$0xC260]  }
0x22c: {  	v3 =	vadd.f32 v8, v3;
	v8 =	vld [tilespmem:s12+$0x4260]  }
0x22d: {  	v5 =	vand.u32 $0x7FFFFFFF, v5;
	v4 =	vsub.f32 v7, v4;
	v7 =	vld [tilespmem:s12+$0xC270]  }
0x22e: {  	v3 =	vadd.f32 v5, v3;
	v5 =	vld [tilespmem:s12+$0x4270]  }
0x22f: {  	v4 =	vand.u32 $0x7FFFFFFF, v4;
	v6 =	vsub.f32 v9, v6;
	v9 =	vld [tilespmem:s12+$0xC600]  }
0x230: {  	v3 =	vadd.f32 v4, v3;
	v4 =	vld [tilespmem:s12+$0x4600]  }
0x231: {  	v6 =	vand.u32 $0x7FFFFFFF, v6;
	v8 =	vsub.f32 v10, v8;
	v10 =	vld [tilespmem:s12+$0xC610]  }
0x232: {  	v3 =	vadd.f32 v6, v3;
	v6 =	vld [tilespmem:s12+$0x4610]  }
0x233: {  	v8 =	vand.u32 $0x7FFFFFFF, v8;
	v5 =	vsub.f32 v7, v5;
	v7 =	vld [tilespmem:s12+$0xC620]  }
0x234: {  	v3 =	vadd.f32 v8, v3;
	v8 =	vld [tilespmem:s12+$0x4620]  }
0x235: {  	v5 =	vand.u32 $0x7FFFFFFF, v5;
	v4 =	vsub.f32 v9, v4;
	v9 =	vld [tilespmem:s12+$0xC630]  }
0x236: {  	v3 =	vadd.f32 v5, v3;
	v11 =	vld [tilespmem:s12+$0x4630]  }
0x237: {  	v4 =	vand.u32 $0x7FFFFFFF, v4;
	v5 =	vsub.f32 v10, v6;
	v10 =	vld [tilespmem:s12+$0xC640]  }
0x238: {  	v4 =	vadd.f32 v4, v3;
	v12 =	vld [tilespmem:s12+$0x4640]  }
0x239: {  	v5 =	vand.u32 $0x7FFFFFFF, v5;
	v6 =	vsub.f32 v7, v8;
	v3 =	vld [tilespmem:s12+$0xC650]  }
.Ltmp3:
0x23a: {  	v7 =	vadd.f32 v5, v4;
	v5 =	vld [tilespmem:s12+$0x4650];
	(pc) =	sbr.rel @p0 .LBB2_8-.Ltmp3, $4  }
0x23b: {  	v6 =	vand.u32 $0x7FFFFFFF, v6;
	v8 =	vsub.f32 v9, v11;
	v4 =	vld [tilespmem:s12+$0xC660]  }
0x23c: {  	s13 =	sadd.s32 $0x80, s13;
	v11 =	vadd.f32 v6, v7;
	v6 =	vld [tilespmem:s12+$0x4660]  }
0x23d: {  	s15 =	sand.u32 $0x3800, s14;
	s16 =	sand.u32 $0x380, s13;
	v8 =	vand.u32 $0x7FFFFFFF, v8;
	v9 =	vsub.f32 v10, v12;
	v7 =	vld [tilespmem:s12+$0xC670]  }
0x23e: {  	s14 =	sadd.s32 $0x100, s14;
	v10 =	vadd.f32 v8, v11;
	v8 =	vld [tilespmem:s12+$0x4670];
	s12 =	sor.u32 s16, s15  }
0x23f: {  	v11 =	vld [tilespmem:s12+$0xC200];
	v9 =	vand.u32 $0x7FFFFFFF, v9;
	v3 =	vsub.f32 v3, v5  }
0x240: {  	v28 =	vld [tilespmem:s12+$0x4200];
	v9 =	vadd.f32 v9, v10  }
0x241: {  	v29 =	vld [tilespmem:s12+$0xC210];
	v3 =	vand.u32 $0x7FFFFFFF, v3;
	v4 =	vsub.f32 v4, v6  }
0x242: {  	v30 =	vld [tilespmem:s12+$0x4210];
	v3 =	vadd.f32 v3, v9  }
0x243: {  	v31 =	vld [tilespmem:s12+$0xC220];
	v4 =	vand.u32 $0x7FFFFFFF, v4;
	v7 =	vsub.f32 v7, v8  }
0x244: {  	v32 =	vld [tilespmem:s12+$0x4220];
	v3 =	vadd.f32 v4, v3  }
0x245: {  	v34 =	vld [tilespmem:s12+$0xC230];
	v33 =	vsub.f32 v11, v28;
	v7 =	vand.u32 $0x7FFFFFFF, v7  }
0x246: {  	v35 =	vld [tilespmem:s12+$0x4230];
	v3 =	vadd.f32 v7, v3  }
0x247: {  	v36 =	vld [tilespmem:s12+$0xC240];
	v6 =	vsub.f32 v29, v30;
	v4 =	vand.u32 $0x7FFFFFFF, v33  }
0x248: {  	v37 =	vld [tilespmem:s12+$0x4240];
	v3 =	vadd.f32 v4, v3  }
0x249: {  	v38 =	vld [tilespmem:s12+$0xC250];
	v8 =	vsub.f32 v31, v32;
	v6 =	vand.u32 $0x7FFFFFFF, v6  }
0x24a: {  	v39 =	vld [tilespmem:s12+$0x4250];
	v3 =	vadd.f32 v6, v3  }
0x24b: {  	v40 =	vld [tilespmem:s12+$0xC260];
	v5 =	vsub.f32 v34, v35;
	v8 =	vand.u32 $0x7FFFFFFF, v8  }
0x24c: {  	v41 =	vld [tilespmem:s12+$0x4260];
	v3 =	vadd.f32 v8, v3  }
0x24d: {  	v42 =	vld [tilespmem:s12+$0xC270];
	v5 =	vand.u32 $0x7FFFFFFF, v5;
	v4 =	vsub.f32 v36, v37  }
0x24e: {  	v43 =	vld [tilespmem:s12+$0x4270];
	v3 =	vadd.f32 v5, v3  }
0x24f: {  	v44 =	vld [tilespmem:s12+$0xC600];
	v4 =	vand.u32 $0x7FFFFFFF, v4;
	v6 =	vsub.f32 v38, v39  }
0x250: {  	v45 =	vld [tilespmem:s12+$0x4600];
	v3 =	vadd.f32 v4, v3  }
0x251: {  	v46 =	vld [tilespmem:s12+$0xC610];
	v6 =	vand.u32 $0x7FFFFFFF, v6;
	v8 =	vsub.f32 v40, v41  }
0x252: {  	v47 =	vld [tilespmem:s12+$0x4610];
	v3 =	vadd.f32 v6, v3  }
0x253: {  	v48 =	vld [tilespmem:s12+$0xC620];
	v8 =	vand.u32 $0x7FFFFFFF, v8;
	v5 =	vsub.f32 v42, v43  }
0x254: {  	v49 =	vld [tilespmem:s12+$0x4620];
	v3 =	vadd.f32 v8, v3  }
0x255: {  	v50 =	vld [tilespmem:s12+$0xC630];
	v5 =	vand.u32 $0x7FFFFFFF, v5;
	v4 =	vsub.f32 v44, v45  }
0x256: {  	v51 =	vld [tilespmem:s12+$0x4630];
	v3 =	vadd.f32 v5, v3  }
0x257: {  	v52 =	vld [tilespmem:s12+$0xC640];
	v4 =	vand.u32 $0x7FFFFFFF, v4;
	v6 =	vsub.f32 v46, v47  }
0x258: {  	v53 =	vld [tilespmem:s12+$0x4640];
	v3 =	vadd.f32 v4, v3  }
0x259: {  	v54 =	vld [tilespmem:s12+$0xC650];
	v7 =	vsub.f32 v48, v49;
	v6 =	vand.u32 $0x7FFFFFFF, v6  }
0x25a: {  	v55 =	vld [tilespmem:s12+$0x4650];
	v3 =	vadd.f32 v6, v3  }
0x25b: {  	v56 =	vld [tilespmem:s12+$0xC660];
	v7 =	vand.u32 $0x7FFFFFFF, v7;
	v5 =	vsub.f32 v50, v51  }
0x25c: {  	v57 =	vld [tilespmem:s12+$0x4660];
	v3 =	vadd.f32 v7, v3  }
0x25d: {  	v58 =	vld [tilespmem:s12+$0xC670];
	v5 =	vand.u32 $0x7FFFFFFF, v5;
	v4 =	vsub.f32 v52, v53  }
0x25e: {  	v59 =	vld [tilespmem:s12+$0x4670];
	v3 =	vadd.f32 v5, v3  }
0x25f: {  	v4 =	vand.u32 $0x7FFFFFFF, v4;
	v6 =	vsub.f32 v54, v55  }
0x260: {  	v3 =	vadd.f32 v4, v3  }
0x261: {  	v61 =	vsub.f32 v56, v57;
	v60 =	vand.u32 $0x7FFFFFFF, v6  }
0x262: {  	v3 =	vadd.f32 v60, v3  }
0x263: {  	v62 =	vand.u32 $0x7FFFFFFF, v61;
	v5 =	vsub.f32 v58, v59  }
0x264: {  	v3 =	vadd.f32 v62, v3  }
0x265: {  	v63 =	vand.u32 $0x7FFFFFFF, v5  }
0x266: {  	s0 =	sadd.s32 $0x1, s0;
	v3 =	vadd.f32 v63, v3  }
0x267: {  	p0 =	sne.s32 s0, s10  }
.Ltmp4:
0x268: {  	s16 =	simm.s32 $0x10200;
	[tilespmem:$0x10200] =	vst v3;
	(pc) =	sbr.rel @p0 .LBB2_1-.Ltmp4, $4  }
0x269: {  	[hbm4b:s9+s3] =	stream.linear.scatter [tilespmem:s16], [sflag:$0x3], $0x80, $0x38;
	[tilespmem:$0x10280] =	vst v63  }
0x26a: {  	_ =	swait.ge [sflag:s11], $0x80  }
0x26b: {  	[sflag:s11] =	ssyncset.done $0x0  }
0x26c: {  	[sflag:s11] =	ssyncadd.s32 $0xFFFFFF80  }
0x26d: {  	_ =	sfence.sel $0x180000  }
0x26e: {  	[bflag:$0x0] =	sbarrier.arrive $0xFFFF  }
0x26f: {  	_ =	strace $0x90000047  }
0x270: {  	s0 =	stileid.u32;
	[bflag:$0x2] =	sbarrier.arrive $0xFFFF  }
0x271: {  	p0 =	sne.s32 s0, $0x0;
	s0 =	rddreg [dreg:$0x3]  }
0x272: {  	s0 =	sadd.s32 @!p0 $0x100000, s0  }
0x273: {  	[sflag:s0] =	ssyncadd.tile.s32 @!p0 $0x1;
	_ =	shalt  }
.Lfunc_end2:
_tile_overlayer_lowered:
.L_overlay_start_2:
0x274: {  	(tag) =	ssettag $0x2  }
0x275: {  	s0 =	rddreg [dreg:$0x0];
	s2 =	stileid.u32  }
0x276: {  	s1 =	rddreg [dreg:$0x1];
	p0 =	sne.s32 s2, $0x0  }
0x277: {  	s3 =	rddreg [dreg:$0x2];
	[bflag:$0x3] =	sbarrier.arrive $0xFFFF;
	s2 =	simm.s32 @!p0 $0x1C03  }
0x278: {  	[timem:s3], [sflag:s2] =	dma.local @!p0 [hbm:s0], s1  }
0x279: {  	s0 =	simm.s32 @!p0 $0x3  }
0x27a: {  	_ =	swait.ge @!p0 [sflag:s0], s1  }
0x27b: {  	s1 =	ssub.s32 @!p0 $0x0, s1;
	[sflag:s0] =	ssyncset.done @!p0 $0x0  }
0x27c: {  	[sflag:s0] =	ssyncadd.s32 @!p0 s1  }
0x27d: {  	[bflag:$0x3] =	sbarrier.arrive $0xFFFF  }
0x27e: {  	_ =	shalt  }

</sc_bundles>
